<compile_context>
chip_gen: v7x
topology: tpu7x:2x2x1
jax: 0.10.2.dev20260603
libtpu: 0.0.44.dev20260713+nightly
codegen_flags: <defaults>
</compile_context>

<pallas_src>
import functools

import jax
import jax.numpy as jnp
from jax import lax
from jax.experimental import pallas as pl
from jax.experimental.pallas import tpu as pltpu
from jax.experimental.pallas import tpu_sc as plsc

N = 10000
E = 160000
D = 128

_info = plsc.get_sparse_core_info()
NC, NS = _info.num_cores, _info.num_subcores
NW = NC * NS

ROWS_W = E // NW
GCH = 125
GNC = ROWS_W // GCH


def _gather_body(node_hbm, sidx_hbm, tidx_hbm, src_out, tgt_out,
                 idx_v, buf_v, sem):
    c = lax.axis_index("c")
    s = lax.axis_index("s")
    wid = s * NC + c
    for idx_hbm, out_hbm in ((sidx_hbm, src_out), (tidx_hbm, tgt_out)):
        pltpu.sync_copy(idx_hbm.at[wid], idx_v)

        def chunk(cix, carry, out_hbm=out_hbm):
            pltpu.async_copy(node_hbm.at[idx_v.at[cix]], buf_v, sem).wait()
            pltpu.sync_copy(
                buf_v, out_hbm.at[pl.ds(wid * ROWS_W + cix * GCH, GCH)])
            return carry

        lax.fori_loop(0, GNC, chunk, 0)


def _sc_gather(node_feat, sidx3, tidx3):
    mesh = plsc.VectorSubcoreMesh(core_axis_name="c", subcore_axis_name="s")
    f = pl.kernel(
        _gather_body,
        out_type=[jax.ShapeDtypeStruct((E, D), jnp.float32)] * 2,
        mesh=mesh,
        scratch_types=[
            pltpu.VMEM((GNC, GCH), jnp.int32),
            pltpu.VMEM((GCH, D), jnp.float32),
            pltpu.SemaphoreType.DMA,
        ],
        compiler_params=pltpu.CompilerParams(use_tc_tiling_on_sc=False),
    )
    return f(node_feat, sidx3, tidx3)


ROWS_T = E // NS
SCH = 125
SNC = ROWS_T // SCH
NPT = N // NS


def _scatter_body(ps, es, pt, et, sidx16, tidx16, zeros_hbm,
                  zps, zes, zpt, zet, acc, idx_v, dat_v):
    c = lax.axis_index("c")
    s = lax.axis_index("s")

    def process(data_hbm, idx_hbm, out_hbm):
        pltpu.sync_copy(zeros_hbm.at[pl.ds(s * NPT, NPT)],
                        acc.at[pl.ds(s * NPT, NPT)])
        pltpu.sync_copy(idx_hbm.at[s], idx_v)
        plsc.subcore_barrier()

        def chunk(cix, carry):
            pltpu.sync_copy(
                data_hbm.at[pl.ds(s * ROWS_T + cix * SCH, SCH)], dat_v)
            pltpu.sync_copy(dat_v, acc.at[idx_v.at[cix]], add=True)
            return carry

        lax.fori_loop(0, SNC, chunk, 0)
        plsc.subcore_barrier()
        pltpu.sync_copy(acc.at[pl.ds(s * NPT, NPT)],
                        out_hbm.at[pl.ds(s * NPT, NPT)])
        plsc.subcore_barrier()

    @pl.when(c == 0)
    def _():
        process(ps, sidx16, zps)
        process(es, sidx16, zes)

    @pl.when(c == 1)
    def _():
        process(pt, tidx16, zpt)
        process(et, tidx16, zet)


def _sc_scatter(ps, es, pt, et, sidx16, tidx16, zeros):
    mesh = plsc.VectorSubcoreMesh(core_axis_name="c", subcore_axis_name="s")
    f = pl.kernel(
        _scatter_body,
        out_type=[jax.ShapeDtypeStruct((N, D), jnp.float32)] * 4,
        mesh=mesh,
        scratch_types=[
            pltpu.VMEM_SHARED((N, D), jnp.float32),
            pltpu.VMEM((SNC, SCH), jnp.int32),
            pltpu.VMEM((SCH, D), jnp.float32),
        ],
        compiler_params=pltpu.CompilerParams(use_tc_tiling_on_sc=False),
    )
    return f(ps, es, pt, et, sidx16, tidx16, zeros)


BE = 2000


def _edge_body(e_ref, s_ref, t_ref, wg_ref, wv_ref, wo_ref, ge_ref, be_ref,
               wsrc_ref, wtgt_ref, eres_ref,
               oe_ref, ps_ref, pt_ref, es_ref, et_ref):
    e = e_ref[...]
    sf = s_ref[...]
    tf = t_ref[...]
    wg = wg_ref[...]
    wv = wv_ref[...]
    dot = functools.partial(jnp.dot, preferred_element_type=jnp.float32)
    g = dot(e, wg[0:D]) + dot(tf, wg[D:2 * D]) + dot(sf, wg[2 * D:3 * D])
    v = dot(e, wv[0:D]) + dot(tf, wv[D:2 * D]) + dot(sf, wv[2 * D:3 * D])
    h = g * jax.nn.sigmoid(g) * v
    z = dot(h, wo_ref[...])
    mu = jnp.mean(z, axis=1, keepdims=True)
    zc = z - mu
    var = jnp.mean(zc * zc, axis=1, keepdims=True)
    aef = zc * lax.rsqrt(var + 1e-5) * ge_ref[...] + be_ref[...]
    oe_ref[...] = aef + eres_ref[...] * e
    es = jnp.exp(dot(e, wsrc_ref[...]))
    et = jnp.exp(dot(e, wtgt_ref[...]))
    es_ref[...] = es
    et_ref[...] = et
    ps_ref[...] = es * aef
    pt_ref[...] = et * aef


def _tc_edge(edge_feat, src_feat, tgt_feat, Wg, Wv, Wo, ge, be, Wsrc, Wtgt,
             eres):
    row = lambda i: (i, 0)
    full = lambda i: (0, 0)
    out_sds = jax.ShapeDtypeStruct((E, D), jnp.float32)
    return pl.pallas_call(
        _edge_body,
        grid=(E // BE,),
        in_specs=[
            pl.BlockSpec((BE, D), row),
            pl.BlockSpec((BE, D), row),
            pl.BlockSpec((BE, D), row),
            pl.BlockSpec((3 * D, D), full),
            pl.BlockSpec((3 * D, D), full),
            pl.BlockSpec((D, D), full),
            pl.BlockSpec((1, D), full),
            pl.BlockSpec((1, D), full),
            pl.BlockSpec((D, D), full),
            pl.BlockSpec((D, D), full),
            pl.BlockSpec((1, D), full),
        ],
        out_specs=[pl.BlockSpec((BE, D), row)] * 5,
        out_shape=[out_sds] * 5,
        compiler_params=pltpu.CompilerParams(
            dimension_semantics=("arbitrary",)),
    )(edge_feat, src_feat, tgt_feat, Wg, Wv, Wo, ge, be, Wsrc, Wtgt, eres)


BN = 1000


def _node_body(nf_ref, zps_ref, zes_ref, zpt_ref, zet_ref,
               wg_ref, wv_ref, wo_ref, gn_ref, bn_ref, nres_ref, out_ref):
    nf = nf_ref[...]
    a_t = zpt_ref[...] / (zet_ref[...] + 1e-16)
    a_s = zps_ref[...] / (zes_ref[...] + 1e-16)
    wg = wg_ref[...]
    wv = wv_ref[...]
    dot = functools.partial(jnp.dot, preferred_element_type=jnp.float32)
    g = dot(nf, wg[0:D]) + dot(a_t, wg[D:2 * D]) + dot(a_s, wg[2 * D:3 * D])
    v = dot(nf, wv[0:D]) + dot(a_t, wv[D:2 * D]) + dot(a_s, wv[2 * D:3 * D])
    h = g * jax.nn.sigmoid(g) * v
    z = dot(h, wo_ref[...])
    mu = jnp.mean(z, axis=1, keepdims=True)
    zc = z - mu
    var = jnp.mean(zc * zc, axis=1, keepdims=True)
    ln = zc * lax.rsqrt(var + 1e-5) * gn_ref[...] + bn_ref[...]
    out_ref[...] = ln + nres_ref[...] * nf


def _tc_node(node_feat, zps, zes, zpt, zet, Wg, Wv, Wo, gn, bn, nres):
    row = lambda i: (i, 0)
    full = lambda i: (0, 0)
    return pl.pallas_call(
        _node_body,
        grid=(N // BN,),
        in_specs=[
            pl.BlockSpec((BN, D), row),
            pl.BlockSpec((BN, D), row),
            pl.BlockSpec((BN, D), row),
            pl.BlockSpec((BN, D), row),
            pl.BlockSpec((BN, D), row),
            pl.BlockSpec((3 * D, D), full),
            pl.BlockSpec((3 * D, D), full),
            pl.BlockSpec((D, D), full),
            pl.BlockSpec((1, D), full),
            pl.BlockSpec((1, D), full),
            pl.BlockSpec((1, D), full),
        ],
        out_specs=pl.BlockSpec((BN, D), row),
        out_shape=jax.ShapeDtypeStruct((N, D), jnp.float32),
        compiler_params=pltpu.CompilerParams(
            dimension_semantics=("arbitrary",)),
    )(node_feat, zps, zes, zpt, zet, Wg, Wv, Wo, gn, bn, nres)


def kernel(node_feat, edge_feat, source_index, target_index, Wsrc, Wtgt,
           Wg_e, Wv_e, Wo_e, g_e, b_e, Wg_n, Wv_n, Wo_n, g_n, b_n,
           node_res, edge_res):
    sidx3 = source_index.reshape(NW, GNC, GCH)
    tidx3 = target_index.reshape(NW, GNC, GCH)
    src_feat, tgt_feat = _sc_gather(node_feat, sidx3, tidx3)
    out_edge, ps, pt, es, et = _tc_edge(
        edge_feat, src_feat, tgt_feat, Wg_e, Wv_e, Wo_e,
        g_e.reshape(1, D), b_e.reshape(1, D), Wsrc, Wtgt, edge_res)
    sidx16 = source_index.reshape(NS, SNC, SCH)
    tidx16 = target_index.reshape(NS, SNC, SCH)
    zeros = jnp.zeros((N, D), jnp.float32)
    zps, zes, zpt, zet = _sc_scatter(ps, es, pt, et, sidx16, tidx16, zeros)
    attn_node = _tc_node(
        node_feat, zps, zes, zpt, zet, Wg_n, Wv_n, Wo_n,
        g_n.reshape(1, D), b_n.reshape(1, D), node_res)
    return attn_node, out_edge

# --- scband reference (transcript-rebuilt; emitter-appended) ---
"""Pipeline reference for scband-interaction-block-515396076340 (READ-ONLY COPY).

The authoritative reference and input builder live on the scoring server;
editing this copy changes nothing except your own understanding.
"""

import jax, jax.numpy as jnp
import numpy as np

N = 10000
E = 160000
D = 128
H = 128

def _silu(x):
    return x * jax.nn.sigmoid(x)

def _layer_norm(x, g, b):
    mu = jnp.mean(x, axis=-1, keepdims=True)
    var = jnp.var(x, axis=-1, keepdims=True)
    return (x - mu) / jnp.sqrt(var + 1e-5) * g + b

def _gated_mlp(x, Wg, Wv, Wo, g, b):
    h = _silu(x @ Wg) * (x @ Wv)
    return _layer_norm(h @ Wo, g, b)

def _seg_softmax(x, seg, num):
    m = jax.ops.segment_max(x, seg, num_segments=num)
    m = jnp.where(jnp.isfinite(m), m, 0.0)
    e = jnp.exp(x - m[seg])
    s = jax.ops.segment_sum(e, seg, num_segments=num)
    return e / (s[seg] + 1e-16)

def setup_inputs(seed: int = 0):
    key = jax.random.key(seed)
    ks = jax.random.split(key, 20)
    s = 0.05
    inp = {}
    inp['node_feat'] = jax.random.normal(ks[0], (N, D), jnp.float32)
    inp['edge_feat'] = jax.random.normal(ks[1], (E, D), jnp.float32)
    inp['source_index'] = jax.random.randint(ks[2], (E,), 0, N, dtype=jnp.int32)
    inp['target_index'] = jax.random.randint(ks[3], (E,), 0, N, dtype=jnp.int32)
    inp['Wsrc'] = jax.random.normal(ks[4], (D, D), jnp.float32) * s
    inp['Wtgt'] = jax.random.normal(ks[5], (D, D), jnp.float32) * s
    inp['Wg_e'] = jax.random.normal(ks[6], (3 * D, H), jnp.float32) * s
    inp['Wv_e'] = jax.random.normal(ks[7], (3 * D, H), jnp.float32) * s
    inp['Wo_e'] = jax.random.normal(ks[8], (H, D), jnp.float32) * s
    inp['g_e'] = jnp.ones((D,), jnp.float32)
    inp['b_e'] = jnp.zeros((D,), jnp.float32)
    inp['Wg_n'] = jax.random.normal(ks[9], (3 * D, H), jnp.float32) * s
    inp['Wv_n'] = jax.random.normal(ks[10], (3 * D, H), jnp.float32) * s
    inp['Wo_n'] = jax.random.normal(ks[11], (H, D), jnp.float32) * s
    inp['g_n'] = jnp.ones((D,), jnp.float32)
    inp['b_n'] = jnp.zeros((D,), jnp.float32)
    inp['node_res'] = jnp.ones((1, D), jnp.float32)
    inp['edge_res'] = jnp.ones((1, D), jnp.float32)
    return inp

def reference(node_feat, edge_feat, source_index, target_index, Wsrc, Wtgt, Wg_e, Wv_e, Wo_e, g_e, b_e, Wg_n, Wv_n, Wo_n, g_n, b_n, node_res, edge_res):
    # Graph_Attention_Layer.forward with directed2undirected=None
    src_feat = jnp.take(node_feat, source_index, axis=0)
    tgt_feat = jnp.take(node_feat, target_index, axis=0)
    attn_in = jnp.concatenate([edge_feat, tgt_feat, src_feat], axis=1)
    attn_edge_feat = _gated_mlp(attn_in, Wg_e, Wv_e, Wo_e, g_e, b_e)
    source_alpha = _seg_softmax(edge_feat @ Wsrc, source_index, N)
    target_alpha = _seg_softmax(edge_feat @ Wtgt, target_index, N)
    source_weight = source_alpha * attn_edge_feat
    target_weight = target_alpha * attn_edge_feat
    attn_source_feat = jax.ops.segment_sum(source_weight, source_index, num_segments=N)
    attn_target_feat = jax.ops.segment_sum(target_weight, target_index, num_segments=N)
    fusion = jnp.concatenate([node_feat, attn_target_feat, attn_source_feat], axis=1)
    attn_node_feat = _gated_mlp(fusion, Wg_n, Wv_n, Wo_n, g_n, b_n)
    attn_node_feat = attn_node_feat + node_res * node_feat
    out_edge_feat = attn_edge_feat + edge_res * edge_feat
    return (attn_node_feat, out_edge_feat)

if __name__ == "__main__":
    import jax
    _d = setup_inputs()
    print(jax.jit(kernel)(*tuple(_d.values())))

</pallas_src>

<mosaic_0001>
#map = affine_map<(d0, d1) -> (0, 0)>
#map1 = affine_map<(d0, d1) -> (0, 0, 0)>
module attributes {stable_mosaic.version = 14 : i64} {
  func.func @_gather_body(%arg0: i32, %arg1: i32, %arg2: memref<10000x128xf32, #tpu.memory_space<hbm>>, %arg3: memref<32x40x125xi32, #tpu.memory_space<hbm>>, %arg4: memref<32x40x125xi32, #tpu.memory_space<hbm>>, %arg5: memref<160000x128xf32, #tpu.memory_space<hbm>>, %arg6: memref<160000x128xf32, #tpu.memory_space<hbm>>, %arg7: memref<40x125xi32, #tpu.memory_space<vmem>>, %arg8: memref<125x128xf32, #tpu.memory_space<vmem>>, %arg9: memref<!tpu.dma_semaphore, #tpu.memory_space<semaphore_mem>>) attributes {dimension_semantics = [#tpu.dimension_semantics<core_parallel>, #tpu.dimension_semantics<subcore_parallel>], iteration_bounds = array<i64: 2, 16>, scalar_prefetch = 0 : i64, scratch_operands = 3 : i64, tpu.core_type = #tpu.core_type<sc_vector_subcore>, window_params = [{transform_indices = #map}, {transform_indices = #map1}, {transform_indices = #map1}, {transform_indices = #map}, {transform_indices = #map}]} {
    %mul3A = arith.constant 2 : i32
    %mul3A_0 = arith.muli %arg1, %mul3A : i32
    %add3A = arith.addi %mul3A_0, %arg0 : i32
    "tpu.region"() ({
      %run_scoped3A = tpu.sem_alloc : memref<!tpu.dma_semaphore, #tpu.memory_space<semaphore_mem>>
      %dma_start3A = arith.constant 0 : i32
      %dma_start3A_12 = arith.constant 0 : i32
      %dma_start3A_13 = tpu.memref_slice %arg3[%add3A, %dma_start3A, %dma_start3A_12] : memref<32x40x125xi32, #tpu.memory_space<hbm>> -> memref<1x40x125xi32, #tpu.memory_space<hbm>>
      %dma_start3A_14 = tpu.memref_squeeze %dma_start3A_13 : memref<1x40x125xi32, #tpu.memory_space<hbm>> -> memref<40x125xi32, #tpu.memory_space<hbm>>
      %dma_start3A_15 = arith.constant 0 : i32
      %dma_start3A_16 = arith.constant 0 : i32
      %dma_start3A_17 = tpu.memref_slice %arg3[%add3A, %dma_start3A_15, %dma_start3A_16] : memref<32x40x125xi32, #tpu.memory_space<hbm>> -> memref<1x40x125xi32, #tpu.memory_space<hbm>>
      %dma_start3A_18 = tpu.memref_squeeze %dma_start3A_17 : memref<1x40x125xi32, #tpu.memory_space<hbm>> -> memref<40x125xi32, #tpu.memory_space<hbm>>
      tpu.enqueue_dma source(%dma_start3A_18 : memref<40x125xi32, #tpu.memory_space<hbm>>) target(%arg7 : memref<40x125xi32, #tpu.memory_space<vmem>>) target_semaphore(%run_scoped3A : memref<!tpu.dma_semaphore, #tpu.memory_space<semaphore_mem>>)
      %dma_wait3A = arith.constant 0 : i32
      %dma_wait3A_19 = arith.constant 0 : i32
      %dma_wait3A_20 = tpu.memref_slice %arg3[%add3A, %dma_wait3A, %dma_wait3A_19] : memref<32x40x125xi32, #tpu.memory_space<hbm>> -> memref<1x40x125xi32, #tpu.memory_space<hbm>>
      %dma_wait3A_21 = tpu.memref_squeeze %dma_wait3A_20 : memref<1x40x125xi32, #tpu.memory_space<hbm>> -> memref<40x125xi32, #tpu.memory_space<hbm>>
      %dma_wait3A_22 = arith.constant 0 : i32
      %dma_wait3A_23 = arith.constant 0 : i32
      %dma_wait3A_24 = tpu.memref_slice %arg3[%add3A, %dma_wait3A_22, %dma_wait3A_23] : memref<32x40x125xi32, #tpu.memory_space<hbm>> -> memref<1x40x125xi32, #tpu.memory_space<hbm>>
      %dma_wait3A_25 = tpu.memref_squeeze %dma_wait3A_24 : memref<1x40x125xi32, #tpu.memory_space<hbm>> -> memref<40x125xi32, #tpu.memory_space<hbm>>
      tpu.wait_dma2 semaphore(%run_scoped3A : memref<!tpu.dma_semaphore, #tpu.memory_space<semaphore_mem>>) src(%dma_wait3A_25 : memref<40x125xi32, #tpu.memory_space<hbm>>) dst(%arg7 : memref<40x125xi32, #tpu.memory_space<vmem>>)
      tpu.yield
    }) : () -> ()
    %scan3A = arith.constant 0 : i32
    %scan3A_1 = arith.constant 0 : i32
    %scan3A_2 = arith.constant 40 : i32
    %scan3A_3 = arith.addi %scan3A_1, %scan3A_2 : i32
    %scan3A_4 = arith.constant 1 : i32
    scf.for %scan3A_12 = %scan3A_1 to %scan3A_3 step %scan3A_4  : i32 {
      %dma_start3A = arith.constant 0 : i32
      %dma_start3A_13 = tpu.memref_slice %arg7[%scan3A_12, %dma_start3A] : memref<40x125xi32, #tpu.memory_space<vmem>> -> memref<1x125xi32, #tpu.memory_space<vmem>>
      %dma_start3A_14 = tpu.memref_squeeze %dma_start3A_13 : memref<1x125xi32, #tpu.memory_space<vmem>> -> memref<125xi32, #tpu.memory_space<vmem>>
      %dma_start3A_15 = arith.constant 0 : i32
      %dma_start3A_16 = arith.constant 0 : i32
      %dma_start3A_17 = tpu.memref_slice %arg2[%dma_start3A_15, %dma_start3A_16] : memref<10000x128xf32, #tpu.memory_space<hbm>> -> memref<10000x128xf32, #tpu.memory_space<hbm>>
      tpu.enqueue_indirect_dma source(%dma_start3A_17 : memref<10000x128xf32, #tpu.memory_space<hbm>>) target(%arg8 : memref<125x128xf32, #tpu.memory_space<vmem>>) offsets(%dma_start3A_14 : memref<125xi32, #tpu.memory_space<vmem>>) semaphore(%arg9 : memref<!tpu.dma_semaphore, #tpu.memory_space<semaphore_mem>>)
      %dma_wait3A = arith.constant 0 : i32
      %dma_wait3A_18 = tpu.memref_slice %arg7[%scan3A_12, %dma_wait3A] : memref<40x125xi32, #tpu.memory_space<vmem>> -> memref<1x125xi32, #tpu.memory_space<vmem>>
      %dma_wait3A_19 = tpu.memref_squeeze %dma_wait3A_18 : memref<1x125xi32, #tpu.memory_space<vmem>> -> memref<125xi32, #tpu.memory_space<vmem>>
      %dma_wait3A_20 = arith.constant 0 : i32
      %dma_wait3A_21 = arith.constant 0 : i32
      %dma_wait3A_22 = tpu.memref_slice %arg2[%dma_wait3A_20, %dma_wait3A_21] : memref<10000x128xf32, #tpu.memory_space<hbm>> -> memref<10000x128xf32, #tpu.memory_space<hbm>>
      tpu.wait_indirect_dma semaphore(%arg9 : memref<!tpu.dma_semaphore, #tpu.memory_space<semaphore_mem>>) src(%dma_wait3A_22 : memref<10000x128xf32, #tpu.memory_space<hbm>>) dst(%arg8 : memref<125x128xf32, #tpu.memory_space<vmem>>)
      %mul3A_23 = arith.constant 5000 : i32
      %mul3A_24 = arith.muli %add3A, %mul3A_23 : i32
      %mul3A_25 = arith.constant 125 : i32
      %mul3A_26 = arith.muli %scan3A_12, %mul3A_25 : i32
      %add3A_27 = arith.addi %mul3A_24, %mul3A_26 : i32
      "tpu.region"() ({
        %run_scoped3A = tpu.sem_alloc : memref<!tpu.dma_semaphore, #tpu.memory_space<semaphore_mem>>
        %dma_start3A_28 = arith.constant 0 : i32
        %dma_start3A_29 = tpu.memref_slice %arg5[%add3A_27, %dma_start3A_28] : memref<160000x128xf32, #tpu.memory_space<hbm>> -> memref<125x128xf32, #tpu.memory_space<hbm>>
        %dma_start3A_30 = arith.constant 0 : i32
        %dma_start3A_31 = tpu.memref_slice %arg5[%add3A_27, %dma_start3A_30] : memref<160000x128xf32, #tpu.memory_space<hbm>> -> memref<125x128xf32, #tpu.memory_space<hbm>>
        tpu.enqueue_dma source(%arg8 : memref<125x128xf32, #tpu.memory_space<vmem>>) target(%dma_start3A_31 : memref<125x128xf32, #tpu.memory_space<hbm>>) target_semaphore(%run_scoped3A : memref<!tpu.dma_semaphore, #tpu.memory_space<semaphore_mem>>)
        %dma_wait3A_32 = arith.constant 0 : i32
        %dma_wait3A_33 = tpu.memref_slice %arg5[%add3A_27, %dma_wait3A_32] : memref<160000x128xf32, #tpu.memory_space<hbm>> -> memref<125x128xf32, #tpu.memory_space<hbm>>
        %dma_wait3A_34 = arith.constant 0 : i32
        %dma_wait3A_35 = tpu.memref_slice %arg5[%add3A_27, %dma_wait3A_34] : memref<160000x128xf32, #tpu.memory_space<hbm>> -> memref<125x128xf32, #tpu.memory_space<hbm>>
        tpu.wait_dma2 semaphore(%run_scoped3A : memref<!tpu.dma_semaphore, #tpu.memory_space<semaphore_mem>>) src(%arg8 : memref<125x128xf32, #tpu.memory_space<vmem>>) dst(%dma_wait3A_35 : memref<125x128xf32, #tpu.memory_space<hbm>>)
        tpu.yield
      }) : () -> ()
    }
    %scan3A_5 = arith.constant 40 : i32
    "tpu.region"() ({
      %run_scoped3A = tpu.sem_alloc : memref<!tpu.dma_semaphore, #tpu.memory_space<semaphore_mem>>
      %dma_start3A = arith.constant 0 : i32
      %dma_start3A_12 = arith.constant 0 : i32
      %dma_start3A_13 = tpu.memref_slice %arg4[%add3A, %dma_start3A, %dma_start3A_12] : memref<32x40x125xi32, #tpu.memory_space<hbm>> -> memref<1x40x125xi32, #tpu.memory_space<hbm>>
      %dma_start3A_14 = tpu.memref_squeeze %dma_start3A_13 : memref<1x40x125xi32, #tpu.memory_space<hbm>> -> memref<40x125xi32, #tpu.memory_space<hbm>>
      %dma_start3A_15 = arith.constant 0 : i32
      %dma_start3A_16 = arith.constant 0 : i32
      %dma_start3A_17 = tpu.memref_slice %arg4[%add3A, %dma_start3A_15, %dma_start3A_16] : memref<32x40x125xi32, #tpu.memory_space<hbm>> -> memref<1x40x125xi32, #tpu.memory_space<hbm>>
      %dma_start3A_18 = tpu.memref_squeeze %dma_start3A_17 : memref<1x40x125xi32, #tpu.memory_space<hbm>> -> memref<40x125xi32, #tpu.memory_space<hbm>>
      tpu.enqueue_dma source(%dma_start3A_18 : memref<40x125xi32, #tpu.memory_space<hbm>>) target(%arg7 : memref<40x125xi32, #tpu.memory_space<vmem>>) target_semaphore(%run_scoped3A : memref<!tpu.dma_semaphore, #tpu.memory_space<semaphore_mem>>)
      %dma_wait3A = arith.constant 0 : i32
      %dma_wait3A_19 = arith.constant 0 : i32
      %dma_wait3A_20 = tpu.memref_slice %arg4[%add3A, %dma_wait3A, %dma_wait3A_19] : memref<32x40x125xi32, #tpu.memory_space<hbm>> -> memref<1x40x125xi32, #tpu.memory_space<hbm>>
      %dma_wait3A_21 = tpu.memref_squeeze %dma_wait3A_20 : memref<1x40x125xi32, #tpu.memory_space<hbm>> -> memref<40x125xi32, #tpu.memory_space<hbm>>
      %dma_wait3A_22 = arith.constant 0 : i32
      %dma_wait3A_23 = arith.constant 0 : i32
      %dma_wait3A_24 = tpu.memref_slice %arg4[%add3A, %dma_wait3A_22, %dma_wait3A_23] : memref<32x40x125xi32, #tpu.memory_space<hbm>> -> memref<1x40x125xi32, #tpu.memory_space<hbm>>
      %dma_wait3A_25 = tpu.memref_squeeze %dma_wait3A_24 : memref<1x40x125xi32, #tpu.memory_space<hbm>> -> memref<40x125xi32, #tpu.memory_space<hbm>>
      tpu.wait_dma2 semaphore(%run_scoped3A : memref<!tpu.dma_semaphore, #tpu.memory_space<semaphore_mem>>) src(%dma_wait3A_25 : memref<40x125xi32, #tpu.memory_space<hbm>>) dst(%arg7 : memref<40x125xi32, #tpu.memory_space<vmem>>)
      tpu.yield
    }) : () -> ()
    %scan3A_6 = arith.constant 0 : i32
    %scan3A_7 = arith.constant 0 : i32
    %scan3A_8 = arith.constant 40 : i32
    %scan3A_9 = arith.addi %scan3A_7, %scan3A_8 : i32
    %scan3A_10 = arith.constant 1 : i32
    scf.for %scan3A_12 = %scan3A_7 to %scan3A_9 step %scan3A_10  : i32 {
      %dma_start3A = arith.constant 0 : i32
      %dma_start3A_13 = tpu.memref_slice %arg7[%scan3A_12, %dma_start3A] : memref<40x125xi32, #tpu.memory_space<vmem>> -> memref<1x125xi32, #tpu.memory_space<vmem>>
      %dma_start3A_14 = tpu.memref_squeeze %dma_start3A_13 : memref<1x125xi32, #tpu.memory_space<vmem>> -> memref<125xi32, #tpu.memory_space<vmem>>
      %dma_start3A_15 = arith.constant 0 : i32
      %dma_start3A_16 = arith.constant 0 : i32
      %dma_start3A_17 = tpu.memref_slice %arg2[%dma_start3A_15, %dma_start3A_16] : memref<10000x128xf32, #tpu.memory_space<hbm>> -> memref<10000x128xf32, #tpu.memory_space<hbm>>
      tpu.enqueue_indirect_dma source(%dma_start3A_17 : memref<10000x128xf32, #tpu.memory_space<hbm>>) target(%arg8 : memref<125x128xf32, #tpu.memory_space<vmem>>) offsets(%dma_start3A_14 : memref<125xi32, #tpu.memory_space<vmem>>) semaphore(%arg9 : memref<!tpu.dma_semaphore, #tpu.memory_space<semaphore_mem>>)
      %dma_wait3A = arith.constant 0 : i32
      %dma_wait3A_18 = tpu.memref_slice %arg7[%scan3A_12, %dma_wait3A] : memref<40x125xi32, #tpu.memory_space<vmem>> -> memref<1x125xi32, #tpu.memory_space<vmem>>
      %dma_wait3A_19 = tpu.memref_squeeze %dma_wait3A_18 : memref<1x125xi32, #tpu.memory_space<vmem>> -> memref<125xi32, #tpu.memory_space<vmem>>
      %dma_wait3A_20 = arith.constant 0 : i32
      %dma_wait3A_21 = arith.constant 0 : i32
      %dma_wait3A_22 = tpu.memref_slice %arg2[%dma_wait3A_20, %dma_wait3A_21] : memref<10000x128xf32, #tpu.memory_space<hbm>> -> memref<10000x128xf32, #tpu.memory_space<hbm>>
      tpu.wait_indirect_dma semaphore(%arg9 : memref<!tpu.dma_semaphore, #tpu.memory_space<semaphore_mem>>) src(%dma_wait3A_22 : memref<10000x128xf32, #tpu.memory_space<hbm>>) dst(%arg8 : memref<125x128xf32, #tpu.memory_space<vmem>>)
      %mul3A_23 = arith.constant 5000 : i32
      %mul3A_24 = arith.muli %add3A, %mul3A_23 : i32
      %mul3A_25 = arith.constant 125 : i32
      %mul3A_26 = arith.muli %scan3A_12, %mul3A_25 : i32
      %add3A_27 = arith.addi %mul3A_24, %mul3A_26 : i32
      "tpu.region"() ({
        %run_scoped3A = tpu.sem_alloc : memref<!tpu.dma_semaphore, #tpu.memory_space<semaphore_mem>>
        %dma_start3A_28 = arith.constant 0 : i32
        %dma_start3A_29 = tpu.memref_slice %arg6[%add3A_27, %dma_start3A_28] : memref<160000x128xf32, #tpu.memory_space<hbm>> -> memref<125x128xf32, #tpu.memory_space<hbm>>
        %dma_start3A_30 = arith.constant 0 : i32
        %dma_start3A_31 = tpu.memref_slice %arg6[%add3A_27, %dma_start3A_30] : memref<160000x128xf32, #tpu.memory_space<hbm>> -> memref<125x128xf32, #tpu.memory_space<hbm>>
        tpu.enqueue_dma source(%arg8 : memref<125x128xf32, #tpu.memory_space<vmem>>) target(%dma_start3A_31 : memref<125x128xf32, #tpu.memory_space<hbm>>) target_semaphore(%run_scoped3A : memref<!tpu.dma_semaphore, #tpu.memory_space<semaphore_mem>>)
        %dma_wait3A_32 = arith.constant 0 : i32
        %dma_wait3A_33 = tpu.memref_slice %arg6[%add3A_27, %dma_wait3A_32] : memref<160000x128xf32, #tpu.memory_space<hbm>> -> memref<125x128xf32, #tpu.memory_space<hbm>>
        %dma_wait3A_34 = arith.constant 0 : i32
        %dma_wait3A_35 = tpu.memref_slice %arg6[%add3A_27, %dma_wait3A_34] : memref<160000x128xf32, #tpu.memory_space<hbm>> -> memref<125x128xf32, #tpu.memory_space<hbm>>
        tpu.wait_dma2 semaphore(%run_scoped3A : memref<!tpu.dma_semaphore, #tpu.memory_space<semaphore_mem>>) src(%arg8 : memref<125x128xf32, #tpu.memory_space<vmem>>) dst(%dma_wait3A_35 : memref<125x128xf32, #tpu.memory_space<hbm>>)
        tpu.yield
      }) : () -> ()
    }
    %scan3A_11 = arith.constant 40 : i32
    return
  }
}

#map = affine_map<(d0, d1) -> (0, 0)>
#map1 = affine_map<(d0, d1) -> (0, 0, 0)>
module attributes {stable_mosaic.version = 14 : i64} {
  func.func @_scatter_body(%arg0: i32, %arg1: i32, %arg2: memref<160000x128xf32, #tpu.memory_space<hbm>>, %arg3: memref<160000x128xf32, #tpu.memory_space<hbm>>, %arg4: memref<160000x128xf32, #tpu.memory_space<hbm>>, %arg5: memref<160000x128xf32, #tpu.memory_space<hbm>>, %arg6: memref<16x80x125xi32, #tpu.memory_space<hbm>>, %arg7: memref<16x80x125xi32, #tpu.memory_space<hbm>>, %arg8: memref<10000x128xf32, #tpu.memory_space<hbm>>, %arg9: memref<10000x128xf32, #tpu.memory_space<hbm>>, %arg10: memref<10000x128xf32, #tpu.memory_space<hbm>>, %arg11: memref<10000x128xf32, #tpu.memory_space<hbm>>, %arg12: memref<10000x128xf32, #tpu.memory_space<hbm>>, %arg13: memref<10000x128xf32, #tpu.memory_space<vmem_shared>>, %arg14: memref<80x125xi32, #tpu.memory_space<vmem>>, %arg15: memref<125x128xf32, #tpu.memory_space<vmem>>) attributes {dimension_semantics = [#tpu.dimension_semantics<core_parallel>, #tpu.dimension_semantics<subcore_parallel>], iteration_bounds = array<i64: 2, 16>, scalar_prefetch = 0 : i64, scratch_operands = 3 : i64, tpu.core_type = #tpu.core_type<sc_vector_subcore>, window_params = [{transform_indices = #map}, {transform_indices = #map}, {transform_indices = #map}, {transform_indices = #map}, {transform_indices = #map1}, {transform_indices = #map1}, {transform_indices = #map}, {transform_indices = #map}, {transform_indices = #map}, {transform_indices = #map}, {transform_indices = #map}]} {
    %eq3A = arith.constant 0 : i32
    %eq3A_0 = arith.cmpi eq, %arg0, %eq3A : i32
    %convert_element_type3A = arith.extui %eq3A_0 : i1 to i32
    %cond3A = arith.constant 0 : i32
    %cond3A_1 = arith.cmpi ne, %convert_element_type3A, %cond3A : i32
    scf.if %cond3A_1 {
      %mul3A = arith.constant 625 : i32
      %mul3A_7 = arith.muli %arg1, %mul3A : i32
      %mul3A_8 = arith.constant 625 : i32
      %mul3A_9 = arith.muli %arg1, %mul3A_8 : i32
      "tpu.region"() ({
        %run_scoped3A = tpu.sem_alloc : memref<!tpu.dma_semaphore, #tpu.memory_space<semaphore_mem>>
        %dma_start3A = arith.constant 0 : i32
        %dma_start3A_38 = tpu.memref_slice %arg13[%mul3A_9, %dma_start3A] : memref<10000x128xf32, #tpu.memory_space<vmem_shared>> -> memref<625x128xf32, #tpu.memory_space<vmem_shared>>
        %dma_start3A_39 = arith.constant 0 : i32
        %dma_start3A_40 = tpu.memref_slice %arg8[%mul3A_7, %dma_start3A_39] : memref<10000x128xf32, #tpu.memory_space<hbm>> -> memref<625x128xf32, #tpu.memory_space<hbm>>
        tpu.enqueue_dma source(%dma_start3A_40 : memref<625x128xf32, #tpu.memory_space<hbm>>) target(%dma_start3A_38 : memref<625x128xf32, #tpu.memory_space<vmem_shared>>) target_semaphore(%run_scoped3A : memref<!tpu.dma_semaphore, #tpu.memory_space<semaphore_mem>>)
        %dma_wait3A = arith.constant 0 : i32
        %dma_wait3A_41 = tpu.memref_slice %arg13[%mul3A_9, %dma_wait3A] : memref<10000x128xf32, #tpu.memory_space<vmem_shared>> -> memref<625x128xf32, #tpu.memory_space<vmem_shared>>
        %dma_wait3A_42 = arith.constant 0 : i32
        %dma_wait3A_43 = tpu.memref_slice %arg8[%mul3A_7, %dma_wait3A_42] : memref<10000x128xf32, #tpu.memory_space<hbm>> -> memref<625x128xf32, #tpu.memory_space<hbm>>
        tpu.wait_dma2 semaphore(%run_scoped3A : memref<!tpu.dma_semaphore, #tpu.memory_space<semaphore_mem>>) src(%dma_wait3A_43 : memref<625x128xf32, #tpu.memory_space<hbm>>) dst(%dma_wait3A_41 : memref<625x128xf32, #tpu.memory_space<vmem_shared>>)
        tpu.yield
      }) : () -> ()
      "tpu.region"() ({
        %run_scoped3A = tpu.sem_alloc : memref<!tpu.dma_semaphore, #tpu.memory_space<semaphore_mem>>
        %dma_start3A = arith.constant 0 : i32
        %dma_start3A_38 = arith.constant 0 : i32
        %dma_start3A_39 = tpu.memref_slice %arg6[%arg1, %dma_start3A, %dma_start3A_38] : memref<16x80x125xi32, #tpu.memory_space<hbm>> -> memref<1x80x125xi32, #tpu.memory_space<hbm>>
        %dma_start3A_40 = tpu.memref_squeeze %dma_start3A_39 : memref<1x80x125xi32, #tpu.memory_space<hbm>> -> memref<80x125xi32, #tpu.memory_space<hbm>>
        %dma_start3A_41 = arith.constant 0 : i32
        %dma_start3A_42 = arith.constant 0 : i32
        %dma_start3A_43 = tpu.memref_slice %arg6[%arg1, %dma_start3A_41, %dma_start3A_42] : memref<16x80x125xi32, #tpu.memory_space<hbm>> -> memref<1x80x125xi32, #tpu.memory_space<hbm>>
        %dma_start3A_44 = tpu.memref_squeeze %dma_start3A_43 : memref<1x80x125xi32, #tpu.memory_space<hbm>> -> memref<80x125xi32, #tpu.memory_space<hbm>>
        tpu.enqueue_dma source(%dma_start3A_44 : memref<80x125xi32, #tpu.memory_space<hbm>>) target(%arg14 : memref<80x125xi32, #tpu.memory_space<vmem>>) target_semaphore(%run_scoped3A : memref<!tpu.dma_semaphore, #tpu.memory_space<semaphore_mem>>)
        %dma_wait3A = arith.constant 0 : i32
        %dma_wait3A_45 = arith.constant 0 : i32
        %dma_wait3A_46 = tpu.memref_slice %arg6[%arg1, %dma_wait3A, %dma_wait3A_45] : memref<16x80x125xi32, #tpu.memory_space<hbm>> -> memref<1x80x125xi32, #tpu.memory_space<hbm>>
        %dma_wait3A_47 = tpu.memref_squeeze %dma_wait3A_46 : memref<1x80x125xi32, #tpu.memory_space<hbm>> -> memref<80x125xi32, #tpu.memory_space<hbm>>
        %dma_wait3A_48 = arith.constant 0 : i32
        %dma_wait3A_49 = arith.constant 0 : i32
        %dma_wait3A_50 = tpu.memref_slice %arg6[%arg1, %dma_wait3A_48, %dma_wait3A_49] : memref<16x80x125xi32, #tpu.memory_space<hbm>> -> memref<1x80x125xi32, #tpu.memory_space<hbm>>
        %dma_wait3A_51 = tpu.memref_squeeze %dma_wait3A_50 : memref<1x80x125xi32, #tpu.memory_space<hbm>> -> memref<80x125xi32, #tpu.memory_space<hbm>>
        tpu.wait_dma2 semaphore(%run_scoped3A : memref<!tpu.dma_semaphore, #tpu.memory_space<semaphore_mem>>) src(%dma_wait3A_51 : memref<80x125xi32, #tpu.memory_space<hbm>>) dst(%arg14 : memref<80x125xi32, #tpu.memory_space<vmem>>)
        tpu.yield
      }) : () -> ()
      %barrier3A = arith.constant 0 : index
      tpu.barrier barrier_id(%barrier3A)
      %scan3A = arith.constant 0 : i32
      %scan3A_10 = arith.constant 0 : i32
      %scan3A_11 = arith.constant 80 : i32
      %scan3A_12 = arith.addi %scan3A_10, %scan3A_11 : i32
      %scan3A_13 = arith.constant 1 : i32
      scf.for %scan3A_38 = %scan3A_10 to %scan3A_12 step %scan3A_13  : i32 {
        %mul3A_39 = arith.constant 10000 : i32
        %mul3A_40 = arith.muli %arg1, %mul3A_39 : i32
        %mul3A_41 = arith.constant 125 : i32
        %mul3A_42 = arith.muli %scan3A_38, %mul3A_41 : i32
        %add3A = arith.addi %mul3A_40, %mul3A_42 : i32
        "tpu.region"() ({
          %run_scoped3A = tpu.sem_alloc : memref<!tpu.dma_semaphore, #tpu.memory_space<semaphore_mem>>
          %dma_start3A = arith.constant 0 : i32
          %dma_start3A_43 = tpu.memref_slice %arg2[%add3A, %dma_start3A] : memref<160000x128xf32, #tpu.memory_space<hbm>> -> memref<125x128xf32, #tpu.memory_space<hbm>>
          %dma_start3A_44 = arith.constant 0 : i32
          %dma_start3A_45 = tpu.memref_slice %arg2[%add3A, %dma_start3A_44] : memref<160000x128xf32, #tpu.memory_space<hbm>> -> memref<125x128xf32, #tpu.memory_space<hbm>>
          tpu.enqueue_dma source(%dma_start3A_45 : memref<125x128xf32, #tpu.memory_space<hbm>>) target(%arg15 : memref<125x128xf32, #tpu.memory_space<vmem>>) target_semaphore(%run_scoped3A : memref<!tpu.dma_semaphore, #tpu.memory_space<semaphore_mem>>)
          %dma_wait3A = arith.constant 0 : i32
          %dma_wait3A_46 = tpu.memref_slice %arg2[%add3A, %dma_wait3A] : memref<160000x128xf32, #tpu.memory_space<hbm>> -> memref<125x128xf32, #tpu.memory_space<hbm>>
          %dma_wait3A_47 = arith.constant 0 : i32
          %dma_wait3A_48 = tpu.memref_slice %arg2[%add3A, %dma_wait3A_47] : memref<160000x128xf32, #tpu.memory_space<hbm>> -> memref<125x128xf32, #tpu.memory_space<hbm>>
          tpu.wait_dma2 semaphore(%run_scoped3A : memref<!tpu.dma_semaphore, #tpu.memory_space<semaphore_mem>>) src(%dma_wait3A_48 : memref<125x128xf32, #tpu.memory_space<hbm>>) dst(%arg15 : memref<125x128xf32, #tpu.memory_space<vmem>>)
          tpu.yield
        }) : () -> ()
        "tpu.region"() ({
          %run_scoped3A = tpu.sem_alloc : memref<!tpu.dma_semaphore, #tpu.memory_space<semaphore_mem>>
          %dma_start3A = arith.constant 0 : i32
          %dma_start3A_43 = tpu.memref_slice %arg14[%scan3A_38, %dma_start3A] : memref<80x125xi32, #tpu.memory_space<vmem>> -> memref<1x125xi32, #tpu.memory_space<vmem>>
          %dma_start3A_44 = tpu.memref_squeeze %dma_start3A_43 : memref<1x125xi32, #tpu.memory_space<vmem>> -> memref<125xi32, #tpu.memory_space<vmem>>
          %dma_start3A_45 = arith.constant 0 : i32
          %dma_start3A_46 = arith.constant 0 : i32
          %dma_start3A_47 = tpu.memref_slice %arg13[%dma_start3A_45, %dma_start3A_46] : memref<10000x128xf32, #tpu.memory_space<vmem_shared>> -> memref<10000x128xf32, #tpu.memory_space<vmem_shared>>
          tpu.enqueue_indirect_dma source(%arg15 : memref<125x128xf32, #tpu.memory_space<vmem>>) target(%dma_start3A_47 : memref<10000x128xf32, #tpu.memory_space<vmem_shared>>) offsets(%dma_start3A_44 : memref<125xi32, #tpu.memory_space<vmem>>) semaphore(%run_scoped3A : memref<!tpu.dma_semaphore, #tpu.memory_space<semaphore_mem>>) {add = true}
          %dma_wait3A = arith.constant 0 : i32
          %dma_wait3A_48 = tpu.memref_slice %arg14[%scan3A_38, %dma_wait3A] : memref<80x125xi32, #tpu.memory_space<vmem>> -> memref<1x125xi32, #tpu.memory_space<vmem>>
          %dma_wait3A_49 = tpu.memref_squeeze %dma_wait3A_48 : memref<1x125xi32, #tpu.memory_space<vmem>> -> memref<125xi32, #tpu.memory_space<vmem>>
          %dma_wait3A_50 = arith.constant 0 : i32
          %dma_wait3A_51 = arith.constant 0 : i32
          %dma_wait3A_52 = tpu.memref_slice %arg13[%dma_wait3A_50, %dma_wait3A_51] : memref<10000x128xf32, #tpu.memory_space<vmem_shared>> -> memref<10000x128xf32, #tpu.memory_space<vmem_shared>>
          tpu.wait_indirect_dma semaphore(%run_scoped3A : memref<!tpu.dma_semaphore, #tpu.memory_space<semaphore_mem>>) src(%arg15 : memref<125x128xf32, #tpu.memory_space<vmem>>) dst(%dma_wait3A_52 : memref<10000x128xf32, #tpu.memory_space<vmem_shared>>)
          tpu.yield
        }) : () -> ()
      }
      %scan3A_14 = arith.constant 80 : i32
      %barrier3A_15 = arith.constant 0 : index
      tpu.barrier barrier_id(%barrier3A_15)
      %mul3A_16 = arith.constant 625 : i32
      %mul3A_17 = arith.muli %arg1, %mul3A_16 : i32
      %mul3A_18 = arith.constant 625 : i32
      %mul3A_19 = arith.muli %arg1, %mul3A_18 : i32
      "tpu.region"() ({
        %run_scoped3A = tpu.sem_alloc : memref<!tpu.dma_semaphore, #tpu.memory_space<semaphore_mem>>
        %dma_start3A = arith.constant 0 : i32
        %dma_start3A_38 = tpu.memref_slice %arg9[%mul3A_19, %dma_start3A] : memref<10000x128xf32, #tpu.memory_space<hbm>> -> memref<625x128xf32, #tpu.memory_space<hbm>>
        %dma_start3A_39 = arith.constant 0 : i32
        %dma_start3A_40 = tpu.memref_slice %arg13[%mul3A_17, %dma_start3A_39] : memref<10000x128xf32, #tpu.memory_space<vmem_shared>> -> memref<625x128xf32, #tpu.memory_space<vmem_shared>>
        tpu.enqueue_dma source(%dma_start3A_40 : memref<625x128xf32, #tpu.memory_space<vmem_shared>>) target(%dma_start3A_38 : memref<625x128xf32, #tpu.memory_space<hbm>>) target_semaphore(%run_scoped3A : memref<!tpu.dma_semaphore, #tpu.memory_space<semaphore_mem>>)
        %dma_wait3A = arith.constant 0 : i32
        %dma_wait3A_41 = tpu.memref_slice %arg9[%mul3A_19, %dma_wait3A] : memref<10000x128xf32, #tpu.memory_space<hbm>> -> memref<625x128xf32, #tpu.memory_space<hbm>>
        %dma_wait3A_42 = arith.constant 0 : i32
        %dma_wait3A_43 = tpu.memref_slice %arg13[%mul3A_17, %dma_wait3A_42] : memref<10000x128xf32, #tpu.memory_space<vmem_shared>> -> memref<625x128xf32, #tpu.memory_space<vmem_shared>>
        tpu.wait_dma2 semaphore(%run_scoped3A : memref<!tpu.dma_semaphore, #tpu.memory_space<semaphore_mem>>) src(%dma_wait3A_43 : memref<625x128xf32, #tpu.memory_space<vmem_shared>>) dst(%dma_wait3A_41 : memref<625x128xf32, #tpu.memory_space<hbm>>)
        tpu.yield
      }) : () -> ()
      %barrier3A_20 = arith.constant 0 : index
      tpu.barrier barrier_id(%barrier3A_20)
      %mul3A_21 = arith.constant 625 : i32
      %mul3A_22 = arith.muli %arg1, %mul3A_21 : i32
      %mul3A_23 = arith.constant 625 : i32
      %mul3A_24 = arith.muli %arg1, %mul3A_23 : i32
      "tpu.region"() ({
        %run_scoped3A = tpu.sem_alloc : memref<!tpu.dma_semaphore, #tpu.memory_space<semaphore_mem>>
        %dma_start3A = arith.constant 0 : i32
        %dma_start3A_38 = tpu.memref_slice %arg13[%mul3A_24, %dma_start3A] : memref<10000x128xf32, #tpu.memory_space<vmem_shared>> -> memref<625x128xf32, #tpu.memory_space<vmem_shared>>
        %dma_start3A_39 = arith.constant 0 : i32
        %dma_start3A_40 = tpu.memref_slice %arg8[%mul3A_22, %dma_start3A_39] : memref<10000x128xf32, #tpu.memory_space<hbm>> -> memref<625x128xf32, #tpu.memory_space<hbm>>
        tpu.enqueue_dma source(%dma_start3A_40 : memref<625x128xf32, #tpu.memory_space<hbm>>) target(%dma_start3A_38 : memref<625x128xf32, #tpu.memory_space<vmem_shared>>) target_semaphore(%run_scoped3A : memref<!tpu.dma_semaphore, #tpu.memory_space<semaphore_mem>>)
        %dma_wait3A = arith.constant 0 : i32
        %dma_wait3A_41 = tpu.memref_slice %arg13[%mul3A_24, %dma_wait3A] : memref<10000x128xf32, #tpu.memory_space<vmem_shared>> -> memref<625x128xf32, #tpu.memory_space<vmem_shared>>
        %dma_wait3A_42 = arith.constant 0 : i32
        %dma_wait3A_43 = tpu.memref_slice %arg8[%mul3A_22, %dma_wait3A_42] : memref<10000x128xf32, #tpu.memory_space<hbm>> -> memref<625x128xf32, #tpu.memory_space<hbm>>
        tpu.wait_dma2 semaphore(%run_scoped3A : memref<!tpu.dma_semaphore, #tpu.memory_space<semaphore_mem>>) src(%dma_wait3A_43 : memref<625x128xf32, #tpu.memory_space<hbm>>) dst(%dma_wait3A_41 : memref<625x128xf32, #tpu.memory_space<vmem_shared>>)
        tpu.yield
      }) : () -> ()
      "tpu.region"() ({
        %run_scoped3A = tpu.sem_alloc : memref<!tpu.dma_semaphore, #tpu.memory_space<semaphore_mem>>
        %dma_start3A = arith.constant 0 : i32
        %dma_start3A_38 = arith.constant 0 : i32
        %dma_start3A_39 = tpu.memref_slice %arg6[%arg1, %dma_start3A, %dma_start3A_38] : memref<16x80x125xi32, #tpu.memory_space<hbm>> -> memref<1x80x125xi32, #tpu.memory_space<hbm>>
        %dma_start3A_40 = tpu.memref_squeeze %dma_start3A_39 : memref<1x80x125xi32, #tpu.memory_space<hbm>> -> memref<80x125xi32, #tpu.memory_space<hbm>>
        %dma_start3A_41 = arith.constant 0 : i32
        %dma_start3A_42 = arith.constant 0 : i32
        %dma_start3A_43 = tpu.memref_slice %arg6[%arg1, %dma_start3A_41, %dma_start3A_42] : memref<16x80x125xi32, #tpu.memory_space<hbm>> -> memref<1x80x125xi32, #tpu.memory_space<hbm>>
        %dma_start3A_44 = tpu.memref_squeeze %dma_start3A_43 : memref<1x80x125xi32, #tpu.memory_space<hbm>> -> memref<80x125xi32, #tpu.memory_space<hbm>>
        tpu.enqueue_dma source(%dma_start3A_44 : memref<80x125xi32, #tpu.memory_space<hbm>>) target(%arg14 : memref<80x125xi32, #tpu.memory_space<vmem>>) target_semaphore(%run_scoped3A : memref<!tpu.dma_semaphore, #tpu.memory_space<semaphore_mem>>)
        %dma_wait3A = arith.constant 0 : i32
        %dma_wait3A_45 = arith.constant 0 : i32
        %dma_wait3A_46 = tpu.memref_slice %arg6[%arg1, %dma_wait3A, %dma_wait3A_45] : memref<16x80x125xi32, #tpu.memory_space<hbm>> -> memref<1x80x125xi32, #tpu.memory_space<hbm>>
        %dma_wait3A_47 = tpu.memref_squeeze %dma_wait3A_46 : memref<1x80x125xi32, #tpu.memory_space<hbm>> -> memref<80x125xi32, #tpu.memory_space<hbm>>
        %dma_wait3A_48 = arith.constant 0 : i32
        %dma_wait3A_49 = arith.constant 0 : i32
        %dma_wait3A_50 = tpu.memref_slice %arg6[%arg1, %dma_wait3A_48, %dma_wait3A_49] : memref<16x80x125xi32, #tpu.memory_space<hbm>> -> memref<1x80x125xi32, #tpu.memory_space<hbm>>
        %dma_wait3A_51 = tpu.memref_squeeze %dma_wait3A_50 : memref<1x80x125xi32, #tpu.memory_space<hbm>> -> memref<80x125xi32, #tpu.memory_space<hbm>>
        tpu.wait_dma2 semaphore(%run_scoped3A : memref<!tpu.dma_semaphore, #tpu.memory_space<semaphore_mem>>) src(%dma_wait3A_51 : memref<80x125xi32, #tpu.memory_space<hbm>>) dst(%arg14 : memref<80x125xi32, #tpu.memory_space<vmem>>)
        tpu.yield
      }) : () -> ()
      %barrier3A_25 = arith.constant 0 : index
      tpu.barrier barrier_id(%barrier3A_25)
      %scan3A_26 = arith.constant 0 : i32
      %scan3A_27 = arith.constant 0 : i32
      %scan3A_28 = arith.constant 80 : i32
      %scan3A_29 = arith.addi %scan3A_27, %scan3A_28 : i32
      %scan3A_30 = arith.constant 1 : i32
      scf.for %scan3A_38 = %scan3A_27 to %scan3A_29 step %scan3A_30  : i32 {
        %mul3A_39 = arith.constant 10000 : i32
        %mul3A_40 = arith.muli %arg1, %mul3A_39 : i32
        %mul3A_41 = arith.constant 125 : i32
        %mul3A_42 = arith.muli %scan3A_38, %mul3A_41 : i32
        %add3A = arith.addi %mul3A_40, %mul3A_42 : i32
        "tpu.region"() ({
          %run_scoped3A = tpu.sem_alloc : memref<!tpu.dma_semaphore, #tpu.memory_space<semaphore_mem>>
          %dma_start3A = arith.constant 0 : i32
          %dma_start3A_43 = tpu.memref_slice %arg3[%add3A, %dma_start3A] : memref<160000x128xf32, #tpu.memory_space<hbm>> -> memref<125x128xf32, #tpu.memory_space<hbm>>
          %dma_start3A_44 = arith.constant 0 : i32
          %dma_start3A_45 = tpu.memref_slice %arg3[%add3A, %dma_start3A_44] : memref<160000x128xf32, #tpu.memory_space<hbm>> -> memref<125x128xf32, #tpu.memory_space<hbm>>
          tpu.enqueue_dma source(%dma_start3A_45 : memref<125x128xf32, #tpu.memory_space<hbm>>) target(%arg15 : memref<125x128xf32, #tpu.memory_space<vmem>>) target_semaphore(%run_scoped3A : memref<!tpu.dma_semaphore, #tpu.memory_space<semaphore_mem>>)
          %dma_wait3A = arith.constant 0 : i32
          %dma_wait3A_46 = tpu.memref_slice %arg3[%add3A, %dma_wait3A] : memref<160000x128xf32, #tpu.memory_space<hbm>> -> memref<125x128xf32, #tpu.memory_space<hbm>>
          %dma_wait3A_47 = arith.constant 0 : i32
          %dma_wait3A_48 = tpu.memref_slice %arg3[%add3A, %dma_wait3A_47] : memref<160000x128xf32, #tpu.memory_space<hbm>> -> memref<125x128xf32, #tpu.memory_space<hbm>>
          tpu.wait_dma2 semaphore(%run_scoped3A : memref<!tpu.dma_semaphore, #tpu.memory_space<semaphore_mem>>) src(%dma_wait3A_48 : memref<125x128xf32, #tpu.memory_space<hbm>>) dst(%arg15 : memref<125x128xf32, #tpu.memory_space<vmem>>)
          tpu.yield
        }) : () -> ()
        "tpu.region"() ({
          %run_scoped3A = tpu.sem_alloc : memref<!tpu.dma_semaphore, #tpu.memory_space<semaphore_mem>>
          %dma_start3A = arith.constant 0 : i32
          %dma_start3A_43 = tpu.memref_slice %arg14[%scan3A_38, %dma_start3A] : memref<80x125xi32, #tpu.memory_space<vmem>> -> memref<1x125xi32, #tpu.memory_space<vmem>>
          %dma_start3A_44 = tpu.memref_squeeze %dma_start3A_43 : memref<1x125xi32, #tpu.memory_space<vmem>> -> memref<125xi32, #tpu.memory_space<vmem>>
          %dma_start3A_45 = arith.constant 0 : i32
          %dma_start3A_46 = arith.constant 0 : i32
          %dma_start3A_47 = tpu.memref_slice %arg13[%dma_start3A_45, %dma_start3A_46] : memref<10000x128xf32, #tpu.memory_space<vmem_shared>> -> memref<10000x128xf32, #tpu.memory_space<vmem_shared>>
          tpu.enqueue_indirect_dma source(%arg15 : memref<125x128xf32, #tpu.memory_space<vmem>>) target(%dma_start3A_47 : memref<10000x128xf32, #tpu.memory_space<vmem_shared>>) offsets(%dma_start3A_44 : memref<125xi32, #tpu.memory_space<vmem>>) semaphore(%run_scoped3A : memref<!tpu.dma_semaphore, #tpu.memory_space<semaphore_mem>>) {add = true}
          %dma_wait3A = arith.constant 0 : i32
          %dma_wait3A_48 = tpu.memref_slice %arg14[%scan3A_38, %dma_wait3A] : memref<80x125xi32, #tpu.memory_space<vmem>> -> memref<1x125xi32, #tpu.memory_space<vmem>>
          %dma_wait3A_49 = tpu.memref_squeeze %dma_wait3A_48 : memref<1x125xi32, #tpu.memory_space<vmem>> -> memref<125xi32, #tpu.memory_space<vmem>>
          %dma_wait3A_50 = arith.constant 0 : i32
          %dma_wait3A_51 = arith.constant 0 : i32
          %dma_wait3A_52 = tpu.memref_slice %arg13[%dma_wait3A_50, %dma_wait3A_51] : memref<10000x128xf32, #tpu.memory_space<vmem_shared>> -> memref<10000x128xf32, #tpu.memory_space<vmem_shared>>
          tpu.wait_indirect_dma semaphore(%run_scoped3A : memref<!tpu.dma_semaphore, #tpu.memory_space<semaphore_mem>>) src(%arg15 : memref<125x128xf32, #tpu.memory_space<vmem>>) dst(%dma_wait3A_52 : memref<10000x128xf32, #tpu.memory_space<vmem_shared>>)
          tpu.yield
        }) : () -> ()
      }
      %scan3A_31 = arith.constant 80 : i32
      %barrier3A_32 = arith.constant 0 : index
      tpu.barrier barrier_id(%barrier3A_32)
      %mul3A_33 = arith.constant 625 : i32
      %mul3A_34 = arith.muli %arg1, %mul3A_33 : i32
      %mul3A_35 = arith.constant 625 : i32
      %mul3A_36 = arith.muli %arg1, %mul3A_35 : i32
      "tpu.region"() ({
        %run_scoped3A = tpu.sem_alloc : memref<!tpu.dma_semaphore, #tpu.memory_space<semaphore_mem>>
        %dma_start3A = arith.constant 0 : i32
        %dma_start3A_38 = tpu.memref_slice %arg10[%mul3A_36, %dma_start3A] : memref<10000x128xf32, #tpu.memory_space<hbm>> -> memref<625x128xf32, #tpu.memory_space<hbm>>
        %dma_start3A_39 = arith.constant 0 : i32
        %dma_start3A_40 = tpu.memref_slice %arg13[%mul3A_34, %dma_start3A_39] : memref<10000x128xf32, #tpu.memory_space<vmem_shared>> -> memref<625x128xf32, #tpu.memory_space<vmem_shared>>
        tpu.enqueue_dma source(%dma_start3A_40 : memref<625x128xf32, #tpu.memory_space<vmem_shared>>) target(%dma_start3A_38 : memref<625x128xf32, #tpu.memory_space<hbm>>) target_semaphore(%run_scoped3A : memref<!tpu.dma_semaphore, #tpu.memory_space<semaphore_mem>>)
        %dma_wait3A = arith.constant 0 : i32
        %dma_wait3A_41 = tpu.memref_slice %arg10[%mul3A_36, %dma_wait3A] : memref<10000x128xf32, #tpu.memory_space<hbm>> -> memref<625x128xf32, #tpu.memory_space<hbm>>
        %dma_wait3A_42 = arith.constant 0 : i32
        %dma_wait3A_43 = tpu.memref_slice %arg13[%mul3A_34, %dma_wait3A_42] : memref<10000x128xf32, #tpu.memory_space<vmem_shared>> -> memref<625x128xf32, #tpu.memory_space<vmem_shared>>
        tpu.wait_dma2 semaphore(%run_scoped3A : memref<!tpu.dma_semaphore, #tpu.memory_space<semaphore_mem>>) src(%dma_wait3A_43 : memref<625x128xf32, #tpu.memory_space<vmem_shared>>) dst(%dma_wait3A_41 : memref<625x128xf32, #tpu.memory_space<hbm>>)
        tpu.yield
      }) : () -> ()
      %barrier3A_37 = arith.constant 0 : index
      tpu.barrier barrier_id(%barrier3A_37)
    } else {
    }
    %eq3A_2 = arith.constant 1 : i32
    %eq3A_3 = arith.cmpi eq, %arg0, %eq3A_2 : i32
    %convert_element_type3A_4 = arith.extui %eq3A_3 : i1 to i32
    %cond3A_5 = arith.constant 0 : i32
    %cond3A_6 = arith.cmpi ne, %convert_element_type3A_4, %cond3A_5 : i32
    scf.if %cond3A_6 {
      %mul3A = arith.constant 625 : i32
      %mul3A_7 = arith.muli %arg1, %mul3A : i32
      %mul3A_8 = arith.constant 625 : i32
      %mul3A_9 = arith.muli %arg1, %mul3A_8 : i32
      "tpu.region"() ({
        %run_scoped3A = tpu.sem_alloc : memref<!tpu.dma_semaphore, #tpu.memory_space<semaphore_mem>>
        %dma_start3A = arith.constant 0 : i32
        %dma_start3A_38 = tpu.memref_slice %arg13[%mul3A_9, %dma_start3A] : memref<10000x128xf32, #tpu.memory_space<vmem_shared>> -> memref<625x128xf32, #tpu.memory_space<vmem_shared>>
        %dma_start3A_39 = arith.constant 0 : i32
        %dma_start3A_40 = tpu.memref_slice %arg8[%mul3A_7, %dma_start3A_39] : memref<10000x128xf32, #tpu.memory_space<hbm>> -> memref<625x128xf32, #tpu.memory_space<hbm>>
        tpu.enqueue_dma source(%dma_start3A_40 : memref<625x128xf32, #tpu.memory_space<hbm>>) target(%dma_start3A_38 : memref<625x128xf32, #tpu.memory_space<vmem_shared>>) target_semaphore(%run_scoped3A : memref<!tpu.dma_semaphore, #tpu.memory_space<semaphore_mem>>)
        %dma_wait3A = arith.constant 0 : i32
        %dma_wait3A_41 = tpu.memref_slice %arg13[%mul3A_9, %dma_wait3A] : memref<10000x128xf32, #tpu.memory_space<vmem_shared>> -> memref<625x128xf32, #tpu.memory_space<vmem_shared>>
        %dma_wait3A_42 = arith.constant 0 : i32
        %dma_wait3A_43 = tpu.memref_slice %arg8[%mul3A_7, %dma_wait3A_42] : memref<10000x128xf32, #tpu.memory_space<hbm>> -> memref<625x128xf32, #tpu.memory_space<hbm>>
        tpu.wait_dma2 semaphore(%run_scoped3A : memref<!tpu.dma_semaphore, #tpu.memory_space<semaphore_mem>>) src(%dma_wait3A_43 : memref<625x128xf32, #tpu.memory_space<hbm>>) dst(%dma_wait3A_41 : memref<625x128xf32, #tpu.memory_space<vmem_shared>>)
        tpu.yield
      }) : () -> ()
      "tpu.region"() ({
        %run_scoped3A = tpu.sem_alloc : memref<!tpu.dma_semaphore, #tpu.memory_space<semaphore_mem>>
        %dma_start3A = arith.constant 0 : i32
        %dma_start3A_38 = arith.constant 0 : i32
        %dma_start3A_39 = tpu.memref_slice %arg7[%arg1, %dma_start3A, %dma_start3A_38] : memref<16x80x125xi32, #tpu.memory_space<hbm>> -> memref<1x80x125xi32, #tpu.memory_space<hbm>>
        %dma_start3A_40 = tpu.memref_squeeze %dma_start3A_39 : memref<1x80x125xi32, #tpu.memory_space<hbm>> -> memref<80x125xi32, #tpu.memory_space<hbm>>
        %dma_start3A_41 = arith.constant 0 : i32
        %dma_start3A_42 = arith.constant 0 : i32
        %dma_start3A_43 = tpu.memref_slice %arg7[%arg1, %dma_start3A_41, %dma_start3A_42] : memref<16x80x125xi32, #tpu.memory_space<hbm>> -> memref<1x80x125xi32, #tpu.memory_space<hbm>>
        %dma_start3A_44 = tpu.memref_squeeze %dma_start3A_43 : memref<1x80x125xi32, #tpu.memory_space<hbm>> -> memref<80x125xi32, #tpu.memory_space<hbm>>
        tpu.enqueue_dma source(%dma_start3A_44 : memref<80x125xi32, #tpu.memory_space<hbm>>) target(%arg14 : memref<80x125xi32, #tpu.memory_space<vmem>>) target_semaphore(%run_scoped3A : memref<!tpu.dma_semaphore, #tpu.memory_space<semaphore_mem>>)
        %dma_wait3A = arith.constant 0 : i32
        %dma_wait3A_45 = arith.constant 0 : i32
        %dma_wait3A_46 = tpu.memref_slice %arg7[%arg1, %dma_wait3A, %dma_wait3A_45] : memref<16x80x125xi32, #tpu.memory_space<hbm>> -> memref<1x80x125xi32, #tpu.memory_space<hbm>>
        %dma_wait3A_47 = tpu.memref_squeeze %dma_wait3A_46 : memref<1x80x125xi32, #tpu.memory_space<hbm>> -> memref<80x125xi32, #tpu.memory_space<hbm>>
        %dma_wait3A_48 = arith.constant 0 : i32
        %dma_wait3A_49 = arith.constant 0 : i32
        %dma_wait3A_50 = tpu.memref_slice %arg7[%arg1, %dma_wait3A_48, %dma_wait3A_49] : memref<16x80x125xi32, #tpu.memory_space<hbm>> -> memref<1x80x125xi32, #tpu.memory_space<hbm>>
        %dma_wait3A_51 = tpu.memref_squeeze %dma_wait3A_50 : memref<1x80x125xi32, #tpu.memory_space<hbm>> -> memref<80x125xi32, #tpu.memory_space<hbm>>
        tpu.wait_dma2 semaphore(%run_scoped3A : memref<!tpu.dma_semaphore, #tpu.memory_space<semaphore_mem>>) src(%dma_wait3A_51 : memref<80x125xi32, #tpu.memory_space<hbm>>) dst(%arg14 : memref<80x125xi32, #tpu.memory_space<vmem>>)
        tpu.yield
      }) : () -> ()
      %barrier3A = arith.constant 0 : index
      tpu.barrier barrier_id(%barrier3A)
      %scan3A = arith.constant 0 : i32
      %scan3A_10 = arith.constant 0 : i32
      %scan3A_11 = arith.constant 80 : i32
      %scan3A_12 = arith.addi %scan3A_10, %scan3A_11 : i32
      %scan3A_13 = arith.constant 1 : i32
      scf.for %scan3A_38 = %scan3A_10 to %scan3A_12 step %scan3A_13  : i32 {
        %mul3A_39 = arith.constant 10000 : i32
        %mul3A_40 = arith.muli %arg1, %mul3A_39 : i32
        %mul3A_41 = arith.constant 125 : i32
        %mul3A_42 = arith.muli %scan3A_38, %mul3A_41 : i32
        %add3A = arith.addi %mul3A_40, %mul3A_42 : i32
        "tpu.region"() ({
          %run_scoped3A = tpu.sem_alloc : memref<!tpu.dma_semaphore, #tpu.memory_space<semaphore_mem>>
          %dma_start3A = arith.constant 0 : i32
          %dma_start3A_43 = tpu.memref_slice %arg4[%add3A, %dma_start3A] : memref<160000x128xf32, #tpu.memory_space<hbm>> -> memref<125x128xf32, #tpu.memory_space<hbm>>
          %dma_start3A_44 = arith.constant 0 : i32
          %dma_start3A_45 = tpu.memref_slice %arg4[%add3A, %dma_start3A_44] : memref<160000x128xf32, #tpu.memory_space<hbm>> -> memref<125x128xf32, #tpu.memory_space<hbm>>
          tpu.enqueue_dma source(%dma_start3A_45 : memref<125x128xf32, #tpu.memory_space<hbm>>) target(%arg15 : memref<125x128xf32, #tpu.memory_space<vmem>>) target_semaphore(%run_scoped3A : memref<!tpu.dma_semaphore, #tpu.memory_space<semaphore_mem>>)
          %dma_wait3A = arith.constant 0 : i32
          %dma_wait3A_46 = tpu.memref_slice %arg4[%add3A, %dma_wait3A] : memref<160000x128xf32, #tpu.memory_space<hbm>> -> memref<125x128xf32, #tpu.memory_space<hbm>>
          %dma_wait3A_47 = arith.constant 0 : i32
          %dma_wait3A_48 = tpu.memref_slice %arg4[%add3A, %dma_wait3A_47] : memref<160000x128xf32, #tpu.memory_space<hbm>> -> memref<125x128xf32, #tpu.memory_space<hbm>>
          tpu.wait_dma2 semaphore(%run_scoped3A : memref<!tpu.dma_semaphore, #tpu.memory_space<semaphore_mem>>) src(%dma_wait3A_48 : memref<125x128xf32, #tpu.memory_space<hbm>>) dst(%arg15 : memref<125x128xf32, #tpu.memory_space<vmem>>)
          tpu.yield
        }) : () -> ()
        "tpu.region"() ({
          %run_scoped3A = tpu.sem_alloc : memref<!tpu.dma_semaphore, #tpu.memory_space<semaphore_mem>>
          %dma_start3A = arith.constant 0 : i32
          %dma_start3A_43 = tpu.memref_slice %arg14[%scan3A_38, %dma_start3A] : memref<80x125xi32, #tpu.memory_space<vmem>> -> memref<1x125xi32, #tpu.memory_space<vmem>>
          %dma_start3A_44 = tpu.memref_squeeze %dma_start3A_43 : memref<1x125xi32, #tpu.memory_space<vmem>> -> memref<125xi32, #tpu.memory_space<vmem>>
          %dma_start3A_45 = arith.constant 0 : i32
          %dma_start3A_46 = arith.constant 0 : i32
          %dma_start3A_47 = tpu.memref_slice %arg13[%dma_start3A_45, %dma_start3A_46] : memref<10000x128xf32, #tpu.memory_space<vmem_shared>> -> memref<10000x128xf32, #tpu.memory_space<vmem_shared>>
          tpu.enqueue_indirect_dma source(%arg15 : memref<125x128xf32, #tpu.memory_space<vmem>>) target(%dma_start3A_47 : memref<10000x128xf32, #tpu.memory_space<vmem_shared>>) offsets(%dma_start3A_44 : memref<125xi32, #tpu.memory_space<vmem>>) semaphore(%run_scoped3A : memref<!tpu.dma_semaphore, #tpu.memory_space<semaphore_mem>>) {add = true}
          %dma_wait3A = arith.constant 0 : i32
          %dma_wait3A_48 = tpu.memref_slice %arg14[%scan3A_38, %dma_wait3A] : memref<80x125xi32, #tpu.memory_space<vmem>> -> memref<1x125xi32, #tpu.memory_space<vmem>>
          %dma_wait3A_49 = tpu.memref_squeeze %dma_wait3A_48 : memref<1x125xi32, #tpu.memory_space<vmem>> -> memref<125xi32, #tpu.memory_space<vmem>>
          %dma_wait3A_50 = arith.constant 0 : i32
          %dma_wait3A_51 = arith.constant 0 : i32
          %dma_wait3A_52 = tpu.memref_slice %arg13[%dma_wait3A_50, %dma_wait3A_51] : memref<10000x128xf32, #tpu.memory_space<vmem_shared>> -> memref<10000x128xf32, #tpu.memory_space<vmem_shared>>
          tpu.wait_indirect_dma semaphore(%run_scoped3A : memref<!tpu.dma_semaphore, #tpu.memory_space<semaphore_mem>>) src(%arg15 : memref<125x128xf32, #tpu.memory_space<vmem>>) dst(%dma_wait3A_52 : memref<10000x128xf32, #tpu.memory_space<vmem_shared>>)
          tpu.yield
        }) : () -> ()
      }
      %scan3A_14 = arith.constant 80 : i32
      %barrier3A_15 = arith.constant 0 : index
      tpu.barrier barrier_id(%barrier3A_15)
      %mul3A_16 = arith.constant 625 : i32
      %mul3A_17 = arith.muli %arg1, %mul3A_16 : i32
      %mul3A_18 = arith.constant 625 : i32
      %mul3A_19 = arith.muli %arg1, %mul3A_18 : i32
      "tpu.region"() ({
        %run_scoped3A = tpu.sem_alloc : memref<!tpu.dma_semaphore, #tpu.memory_space<semaphore_mem>>
        %dma_start3A = arith.constant 0 : i32
        %dma_start3A_38 = tpu.memref_slice %arg11[%mul3A_19, %dma_start3A] : memref<10000x128xf32, #tpu.memory_space<hbm>> -> memref<625x128xf32, #tpu.memory_space<hbm>>
        %dma_start3A_39 = arith.constant 0 : i32
        %dma_start3A_40 = tpu.memref_slice %arg13[%mul3A_17, %dma_start3A_39] : memref<10000x128xf32, #tpu.memory_space<vmem_shared>> -> memref<625x128xf32, #tpu.memory_space<vmem_shared>>
        tpu.enqueue_dma source(%dma_start3A_40 : memref<625x128xf32, #tpu.memory_space<vmem_shared>>) target(%dma_start3A_38 : memref<625x128xf32, #tpu.memory_space<hbm>>) target_semaphore(%run_scoped3A : memref<!tpu.dma_semaphore, #tpu.memory_space<semaphore_mem>>)
        %dma_wait3A = arith.constant 0 : i32
        %dma_wait3A_41 = tpu.memref_slice %arg11[%mul3A_19, %dma_wait3A] : memref<10000x128xf32, #tpu.memory_space<hbm>> -> memref<625x128xf32, #tpu.memory_space<hbm>>
        %dma_wait3A_42 = arith.constant 0 : i32
        %dma_wait3A_43 = tpu.memref_slice %arg13[%mul3A_17, %dma_wait3A_42] : memref<10000x128xf32, #tpu.memory_space<vmem_shared>> -> memref<625x128xf32, #tpu.memory_space<vmem_shared>>
        tpu.wait_dma2 semaphore(%run_scoped3A : memref<!tpu.dma_semaphore, #tpu.memory_space<semaphore_mem>>) src(%dma_wait3A_43 : memref<625x128xf32, #tpu.memory_space<vmem_shared>>) dst(%dma_wait3A_41 : memref<625x128xf32, #tpu.memory_space<hbm>>)
        tpu.yield
      }) : () -> ()
      %barrier3A_20 = arith.constant 0 : index
      tpu.barrier barrier_id(%barrier3A_20)
      %mul3A_21 = arith.constant 625 : i32
      %mul3A_22 = arith.muli %arg1, %mul3A_21 : i32
      %mul3A_23 = arith.constant 625 : i32
      %mul3A_24 = arith.muli %arg1, %mul3A_23 : i32
      "tpu.region"() ({
        %run_scoped3A = tpu.sem_alloc : memref<!tpu.dma_semaphore, #tpu.memory_space<semaphore_mem>>
        %dma_start3A = arith.constant 0 : i32
        %dma_start3A_38 = tpu.memref_slice %arg13[%mul3A_24, %dma_start3A] : memref<10000x128xf32, #tpu.memory_space<vmem_shared>> -> memref<625x128xf32, #tpu.memory_space<vmem_shared>>
        %dma_start3A_39 = arith.constant 0 : i32
        %dma_start3A_40 = tpu.memref_slice %arg8[%mul3A_22, %dma_start3A_39] : memref<10000x128xf32, #tpu.memory_space<hbm>> -> memref<625x128xf32, #tpu.memory_space<hbm>>
        tpu.enqueue_dma source(%dma_start3A_40 : memref<625x128xf32, #tpu.memory_space<hbm>>) target(%dma_start3A_38 : memref<625x128xf32, #tpu.memory_space<vmem_shared>>) target_semaphore(%run_scoped3A : memref<!tpu.dma_semaphore, #tpu.memory_space<semaphore_mem>>)
        %dma_wait3A = arith.constant 0 : i32
        %dma_wait3A_41 = tpu.memref_slice %arg13[%mul3A_24, %dma_wait3A] : memref<10000x128xf32, #tpu.memory_space<vmem_shared>> -> memref<625x128xf32, #tpu.memory_space<vmem_shared>>
        %dma_wait3A_42 = arith.constant 0 : i32
        %dma_wait3A_43 = tpu.memref_slice %arg8[%mul3A_22, %dma_wait3A_42] : memref<10000x128xf32, #tpu.memory_space<hbm>> -> memref<625x128xf32, #tpu.memory_space<hbm>>
        tpu.wait_dma2 semaphore(%run_scoped3A : memref<!tpu.dma_semaphore, #tpu.memory_space<semaphore_mem>>) src(%dma_wait3A_43 : memref<625x128xf32, #tpu.memory_space<hbm>>) dst(%dma_wait3A_41 : memref<625x128xf32, #tpu.memory_space<vmem_shared>>)
        tpu.yield
      }) : () -> ()
      "tpu.region"() ({
        %run_scoped3A = tpu.sem_alloc : memref<!tpu.dma_semaphore, #tpu.memory_space<semaphore_mem>>
        %dma_start3A = arith.constant 0 : i32
        %dma_start3A_38 = arith.constant 0 : i32
        %dma_start3A_39 = tpu.memref_slice %arg7[%arg1, %dma_start3A, %dma_start3A_38] : memref<16x80x125xi32, #tpu.memory_space<hbm>> -> memref<1x80x125xi32, #tpu.memory_space<hbm>>
        %dma_start3A_40 = tpu.memref_squeeze %dma_start3A_39 : memref<1x80x125xi32, #tpu.memory_space<hbm>> -> memref<80x125xi32, #tpu.memory_space<hbm>>
        %dma_start3A_41 = arith.constant 0 : i32
        %dma_start3A_42 = arith.constant 0 : i32
        %dma_start3A_43 = tpu.memref_slice %arg7[%arg1, %dma_start3A_41, %dma_start3A_42] : memref<16x80x125xi32, #tpu.memory_space<hbm>> -> memref<1x80x125xi32, #tpu.memory_space<hbm>>
        %dma_start3A_44 = tpu.memref_squeeze %dma_start3A_43 : memref<1x80x125xi32, #tpu.memory_space<hbm>> -> memref<80x125xi32, #tpu.memory_space<hbm>>
        tpu.enqueue_dma source(%dma_start3A_44 : memref<80x125xi32, #tpu.memory_space<hbm>>) target(%arg14 : memref<80x125xi32, #tpu.memory_space<vmem>>) target_semaphore(%run_scoped3A : memref<!tpu.dma_semaphore, #tpu.memory_space<semaphore_mem>>)
        %dma_wait3A = arith.constant 0 : i32
        %dma_wait3A_45 = arith.constant 0 : i32
        %dma_wait3A_46 = tpu.memref_slice %arg7[%arg1, %dma_wait3A, %dma_wait3A_45] : memref<16x80x125xi32, #tpu.memory_space<hbm>> -> memref<1x80x125xi32, #tpu.memory_space<hbm>>
        %dma_wait3A_47 = tpu.memref_squeeze %dma_wait3A_46 : memref<1x80x125xi32, #tpu.memory_space<hbm>> -> memref<80x125xi32, #tpu.memory_space<hbm>>
        %dma_wait3A_48 = arith.constant 0 : i32
        %dma_wait3A_49 = arith.constant 0 : i32
        %dma_wait3A_50 = tpu.memref_slice %arg7[%arg1, %dma_wait3A_48, %dma_wait3A_49] : memref<16x80x125xi32, #tpu.memory_space<hbm>> -> memref<1x80x125xi32, #tpu.memory_space<hbm>>
        %dma_wait3A_51 = tpu.memref_squeeze %dma_wait3A_50 : memref<1x80x125xi32, #tpu.memory_space<hbm>> -> memref<80x125xi32, #tpu.memory_space<hbm>>
        tpu.wait_dma2 semaphore(%run_scoped3A : memref<!tpu.dma_semaphore, #tpu.memory_space<semaphore_mem>>) src(%dma_wait3A_51 : memref<80x125xi32, #tpu.memory_space<hbm>>) dst(%arg14 : memref<80x125xi32, #tpu.memory_space<vmem>>)
        tpu.yield
      }) : () -> ()
      %barrier3A_25 = arith.constant 0 : index
      tpu.barrier barrier_id(%barrier3A_25)
      %scan3A_26 = arith.constant 0 : i32
      %scan3A_27 = arith.constant 0 : i32
      %scan3A_28 = arith.constant 80 : i32
      %scan3A_29 = arith.addi %scan3A_27, %scan3A_28 : i32
      %scan3A_30 = arith.constant 1 : i32
      scf.for %scan3A_38 = %scan3A_27 to %scan3A_29 step %scan3A_30  : i32 {
        %mul3A_39 = arith.constant 10000 : i32
        %mul3A_40 = arith.muli %arg1, %mul3A_39 : i32
        %mul3A_41 = arith.constant 125 : i32
        %mul3A_42 = arith.muli %scan3A_38, %mul3A_41 : i32
        %add3A = arith.addi %mul3A_40, %mul3A_42 : i32
        "tpu.region"() ({
          %run_scoped3A = tpu.sem_alloc : memref<!tpu.dma_semaphore, #tpu.memory_space<semaphore_mem>>
          %dma_start3A = arith.constant 0 : i32
          %dma_start3A_43 = tpu.memref_slice %arg5[%add3A, %dma_start3A] : memref<160000x128xf32, #tpu.memory_space<hbm>> -> memref<125x128xf32, #tpu.memory_space<hbm>>
          %dma_start3A_44 = arith.constant 0 : i32
          %dma_start3A_45 = tpu.memref_slice %arg5[%add3A, %dma_start3A_44] : memref<160000x128xf32, #tpu.memory_space<hbm>> -> memref<125x128xf32, #tpu.memory_space<hbm>>
          tpu.enqueue_dma source(%dma_start3A_45 : memref<125x128xf32, #tpu.memory_space<hbm>>) target(%arg15 : memref<125x128xf32, #tpu.memory_space<vmem>>) target_semaphore(%run_scoped3A : memref<!tpu.dma_semaphore, #tpu.memory_space<semaphore_mem>>)
          %dma_wait3A = arith.constant 0 : i32
          %dma_wait3A_46 = tpu.memref_slice %arg5[%add3A, %dma_wait3A] : memref<160000x128xf32, #tpu.memory_space<hbm>> -> memref<125x128xf32, #tpu.memory_space<hbm>>
          %dma_wait3A_47 = arith.constant 0 : i32
          %dma_wait3A_48 = tpu.memref_slice %arg5[%add3A, %dma_wait3A_47] : memref<160000x128xf32, #tpu.memory_space<hbm>> -> memref<125x128xf32, #tpu.memory_space<hbm>>
          tpu.wait_dma2 semaphore(%run_scoped3A : memref<!tpu.dma_semaphore, #tpu.memory_space<semaphore_mem>>) src(%dma_wait3A_48 : memref<125x128xf32, #tpu.memory_space<hbm>>) dst(%arg15 : memref<125x128xf32, #tpu.memory_space<vmem>>)
          tpu.yield
        }) : () -> ()
        "tpu.region"() ({
          %run_scoped3A = tpu.sem_alloc : memref<!tpu.dma_semaphore, #tpu.memory_space<semaphore_mem>>
          %dma_start3A = arith.constant 0 : i32
          %dma_start3A_43 = tpu.memref_slice %arg14[%scan3A_38, %dma_start3A] : memref<80x125xi32, #tpu.memory_space<vmem>> -> memref<1x125xi32, #tpu.memory_space<vmem>>
          %dma_start3A_44 = tpu.memref_squeeze %dma_start3A_43 : memref<1x125xi32, #tpu.memory_space<vmem>> -> memref<125xi32, #tpu.memory_space<vmem>>
          %dma_start3A_45 = arith.constant 0 : i32
          %dma_start3A_46 = arith.constant 0 : i32
          %dma_start3A_47 = tpu.memref_slice %arg13[%dma_start3A_45, %dma_start3A_46] : memref<10000x128xf32, #tpu.memory_space<vmem_shared>> -> memref<10000x128xf32, #tpu.memory_space<vmem_shared>>
          tpu.enqueue_indirect_dma source(%arg15 : memref<125x128xf32, #tpu.memory_space<vmem>>) target(%dma_start3A_47 : memref<10000x128xf32, #tpu.memory_space<vmem_shared>>) offsets(%dma_start3A_44 : memref<125xi32, #tpu.memory_space<vmem>>) semaphore(%run_scoped3A : memref<!tpu.dma_semaphore, #tpu.memory_space<semaphore_mem>>) {add = true}
          %dma_wait3A = arith.constant 0 : i32
          %dma_wait3A_48 = tpu.memref_slice %arg14[%scan3A_38, %dma_wait3A] : memref<80x125xi32, #tpu.memory_space<vmem>> -> memref<1x125xi32, #tpu.memory_space<vmem>>
          %dma_wait3A_49 = tpu.memref_squeeze %dma_wait3A_48 : memref<1x125xi32, #tpu.memory_space<vmem>> -> memref<125xi32, #tpu.memory_space<vmem>>
          %dma_wait3A_50 = arith.constant 0 : i32
          %dma_wait3A_51 = arith.constant 0 : i32
          %dma_wait3A_52 = tpu.memref_slice %arg13[%dma_wait3A_50, %dma_wait3A_51] : memref<10000x128xf32, #tpu.memory_space<vmem_shared>> -> memref<10000x128xf32, #tpu.memory_space<vmem_shared>>
          tpu.wait_indirect_dma semaphore(%run_scoped3A : memref<!tpu.dma_semaphore, #tpu.memory_space<semaphore_mem>>) src(%arg15 : memref<125x128xf32, #tpu.memory_space<vmem>>) dst(%dma_wait3A_52 : memref<10000x128xf32, #tpu.memory_space<vmem_shared>>)
          tpu.yield
        }) : () -> ()
      }
      %scan3A_31 = arith.constant 80 : i32
      %barrier3A_32 = arith.constant 0 : index
      tpu.barrier barrier_id(%barrier3A_32)
      %mul3A_33 = arith.constant 625 : i32
      %mul3A_34 = arith.muli %arg1, %mul3A_33 : i32
      %mul3A_35 = arith.constant 625 : i32
      %mul3A_36 = arith.muli %arg1, %mul3A_35 : i32
      "tpu.region"() ({
        %run_scoped3A = tpu.sem_alloc : memref<!tpu.dma_semaphore, #tpu.memory_space<semaphore_mem>>
        %dma_start3A = arith.constant 0 : i32
        %dma_start3A_38 = tpu.memref_slice %arg12[%mul3A_36, %dma_start3A] : memref<10000x128xf32, #tpu.memory_space<hbm>> -> memref<625x128xf32, #tpu.memory_space<hbm>>
        %dma_start3A_39 = arith.constant 0 : i32
        %dma_start3A_40 = tpu.memref_slice %arg13[%mul3A_34, %dma_start3A_39] : memref<10000x128xf32, #tpu.memory_space<vmem_shared>> -> memref<625x128xf32, #tpu.memory_space<vmem_shared>>
        tpu.enqueue_dma source(%dma_start3A_40 : memref<625x128xf32, #tpu.memory_space<vmem_shared>>) target(%dma_start3A_38 : memref<625x128xf32, #tpu.memory_space<hbm>>) target_semaphore(%run_scoped3A : memref<!tpu.dma_semaphore, #tpu.memory_space<semaphore_mem>>)
        %dma_wait3A = arith.constant 0 : i32
        %dma_wait3A_41 = tpu.memref_slice %arg12[%mul3A_36, %dma_wait3A] : memref<10000x128xf32, #tpu.memory_space<hbm>> -> memref<625x128xf32, #tpu.memory_space<hbm>>
        %dma_wait3A_42 = arith.constant 0 : i32
        %dma_wait3A_43 = tpu.memref_slice %arg13[%mul3A_34, %dma_wait3A_42] : memref<10000x128xf32, #tpu.memory_space<vmem_shared>> -> memref<625x128xf32, #tpu.memory_space<vmem_shared>>
        tpu.wait_dma2 semaphore(%run_scoped3A : memref<!tpu.dma_semaphore, #tpu.memory_space<semaphore_mem>>) src(%dma_wait3A_43 : memref<625x128xf32, #tpu.memory_space<vmem_shared>>) dst(%dma_wait3A_41 : memref<625x128xf32, #tpu.memory_space<hbm>>)
        tpu.yield
      }) : () -> ()
      %barrier3A_37 = arith.constant 0 : index
      tpu.barrier barrier_id(%barrier3A_37)
    } else {
    }
    return
  }
}

module attributes {stable_mosaic.version = 14 : i64} {
  func.func @_edge_body(%arg0: i32, %arg1: memref<2000x128xf32, #tpu.memory_space<vmem>>, %arg2: memref<2000x128xf32, #tpu.memory_space<vmem>>, %arg3: memref<2000x128xf32, #tpu.memory_space<vmem>>, %arg4: memref<384x128xf32, #tpu.memory_space<vmem>>, %arg5: memref<384x128xf32, #tpu.memory_space<vmem>>, %arg6: memref<128x128xf32, #tpu.memory_space<vmem>>, %arg7: memref<1x128xf32, #tpu.memory_space<vmem>>, %arg8: memref<1x128xf32, #tpu.memory_space<vmem>>, %arg9: memref<128x128xf32, #tpu.memory_space<vmem>>, %arg10: memref<128x128xf32, #tpu.memory_space<vmem>>, %arg11: memref<1x128xf32, #tpu.memory_space<vmem>>, %arg12: memref<2000x128xf32, #tpu.memory_space<vmem>>, %arg13: memref<2000x128xf32, #tpu.memory_space<vmem>>, %arg14: memref<2000x128xf32, #tpu.memory_space<vmem>>, %arg15: memref<2000x128xf32, #tpu.memory_space<vmem>>, %arg16: memref<2000x128xf32, #tpu.memory_space<vmem>>) attributes {dimension_semantics = [#tpu.dimension_semantics<arbitrary>], iteration_bounds = array<i64: 80>, scalar_prefetch = 0 : i64, scratch_operands = 0 : i64, tpu.core_type = #tpu.core_type<tc>, window_params = [{transform_indices = @transform_0, window_bounds = array<i64: 2000, 128>}, {transform_indices = @transform_1, window_bounds = array<i64: 2000, 128>}, {transform_indices = @transform_2, window_bounds = array<i64: 2000, 128>}, {pipeline_mode = #tpu.pipeline_mode<synchronous>, transform_indices = @transform_3, window_bounds = array<i64: 384, 128>}, {pipeline_mode = #tpu.pipeline_mode<synchronous>, transform_indices = @transform_4, window_bounds = array<i64: 384, 128>}, {pipeline_mode = #tpu.pipeline_mode<synchronous>, transform_indices = @transform_5, window_bounds = array<i64: 128, 128>}, {pipeline_mode = #tpu.pipeline_mode<synchronous>, transform_indices = @transform_6, window_bounds = array<i64: 1, 128>}, {pipeline_mode = #tpu.pipeline_mode<synchronous>, transform_indices = @transform_7, window_bounds = array<i64: 1, 128>}, {pipeline_mode = #tpu.pipeline_mode<synchronous>, transform_indices = @transform_8, window_bounds = array<i64: 128, 128>}, {pipeline_mode = #tpu.pipeline_mode<synchronous>, transform_indices = @transform_9, window_bounds = array<i64: 128, 128>}, {pipeline_mode = #tpu.pipeline_mode<synchronous>, transform_indices = @transform_10, window_bounds = array<i64: 1, 128>}, {transform_indices = @transform_11, window_bounds = array<i64: 2000, 128>}, {transform_indices = @transform_12, window_bounds = array<i64: 2000, 128>}, {transform_indices = @transform_13, window_bounds = array<i64: 2000, 128>}, {transform_indices = @transform_14, window_bounds = array<i64: 2000, 128>}, {transform_indices = @transform_15, window_bounds = array<i64: 2000, 128>}]} {
    %get3A = arith.constant 0 : index
    %get3A_0 = arith.constant 0 : index
    %get3A_1 = vector.load %arg1[%get3A, %get3A_0] : memref<2000x128xf32, #tpu.memory_space<vmem>>, vector<2000x128xf32>
    %get3A_2 = arith.constant 0 : index
    %get3A_3 = arith.constant 0 : index
    %get3A_4 = vector.load %arg2[%get3A_2, %get3A_3] : memref<2000x128xf32, #tpu.memory_space<vmem>>, vector<2000x128xf32>
    %get3A_5 = arith.constant 0 : index
    %get3A_6 = arith.constant 0 : index
    %get3A_7 = vector.load %arg3[%get3A_5, %get3A_6] : memref<2000x128xf32, #tpu.memory_space<vmem>>, vector<2000x128xf32>
    %get3A_8 = arith.constant 0 : index
    %get3A_9 = arith.constant 0 : index
    %get3A_10 = vector.load %arg4[%get3A_8, %get3A_9] : memref<384x128xf32, #tpu.memory_space<vmem>>, vector<384x128xf32>
    %get3A_11 = arith.constant 0 : index
    %get3A_12 = arith.constant 0 : index
    %get3A_13 = vector.load %arg5[%get3A_11, %get3A_12] : memref<384x128xf32, #tpu.memory_space<vmem>>, vector<384x128xf32>
    %slice3A = vector.extract_strided_slice %get3A_10 {offsets = [0, 0], sizes = [128, 128], strides = [1, 1]} : vector<384x128xf32> to vector<128x128xf32>
    %dot_general3A = arith.constant dense<0.000000e+00> : vector<2000x128xf32>
    %dot_general3A_14 = tpu.matmul %get3A_1, %slice3A, %dot_general3A {dimension_numbers = #tpu.dot_dimension_numbers<[1], [0], [0], [1], [0, 0, 1, 1], [], []>, transpose_lhs_hint = false} : vector<2000x128xf32>, vector<128x128xf32>, vector<2000x128xf32> -> vector<2000x128xf32>
    %slice3A_15 = vector.extract_strided_slice %get3A_10 {offsets = [128, 0], sizes = [128, 128], strides = [1, 1]} : vector<384x128xf32> to vector<128x128xf32>
    %dot_general3A_16 = arith.constant dense<0.000000e+00> : vector<2000x128xf32>
    %dot_general3A_17 = tpu.matmul %get3A_7, %slice3A_15, %dot_general3A_16 {dimension_numbers = #tpu.dot_dimension_numbers<[1], [0], [0], [1], [0, 0, 1, 1], [], []>, transpose_lhs_hint = false} : vector<2000x128xf32>, vector<128x128xf32>, vector<2000x128xf32> -> vector<2000x128xf32>
    %add3A = arith.addf %dot_general3A_14, %dot_general3A_17 : vector<2000x128xf32>
    %slice3A_18 = vector.extract_strided_slice %get3A_10 {offsets = [256, 0], sizes = [128, 128], strides = [1, 1]} : vector<384x128xf32> to vector<128x128xf32>
    %dot_general3A_19 = arith.constant dense<0.000000e+00> : vector<2000x128xf32>
    %dot_general3A_20 = tpu.matmul %get3A_4, %slice3A_18, %dot_general3A_19 {dimension_numbers = #tpu.dot_dimension_numbers<[1], [0], [0], [1], [0, 0, 1, 1], [], []>, transpose_lhs_hint = false} : vector<2000x128xf32>, vector<128x128xf32>, vector<2000x128xf32> -> vector<2000x128xf32>
    %add3A_21 = arith.addf %add3A, %dot_general3A_20 : vector<2000x128xf32>
    %slice3A_22 = vector.extract_strided_slice %get3A_13 {offsets = [0, 0], sizes = [128, 128], strides = [1, 1]} : vector<384x128xf32> to vector<128x128xf32>
    %dot_general3A_23 = arith.constant dense<0.000000e+00> : vector<2000x128xf32>
    %dot_general3A_24 = tpu.matmul %get3A_1, %slice3A_22, %dot_general3A_23 {dimension_numbers = #tpu.dot_dimension_numbers<[1], [0], [0], [1], [0, 0, 1, 1], [], []>, transpose_lhs_hint = false} : vector<2000x128xf32>, vector<128x128xf32>, vector<2000x128xf32> -> vector<2000x128xf32>
    %slice3A_25 = vector.extract_strided_slice %get3A_13 {offsets = [128, 0], sizes = [128, 128], strides = [1, 1]} : vector<384x128xf32> to vector<128x128xf32>
    %dot_general3A_26 = arith.constant dense<0.000000e+00> : vector<2000x128xf32>
    %dot_general3A_27 = tpu.matmul %get3A_7, %slice3A_25, %dot_general3A_26 {dimension_numbers = #tpu.dot_dimension_numbers<[1], [0], [0], [1], [0, 0, 1, 1], [], []>, transpose_lhs_hint = false} : vector<2000x128xf32>, vector<128x128xf32>, vector<2000x128xf32> -> vector<2000x128xf32>
    %add3A_28 = arith.addf %dot_general3A_24, %dot_general3A_27 : vector<2000x128xf32>
    %slice3A_29 = vector.extract_strided_slice %get3A_13 {offsets = [256, 0], sizes = [128, 128], strides = [1, 1]} : vector<384x128xf32> to vector<128x128xf32>
    %dot_general3A_30 = arith.constant dense<0.000000e+00> : vector<2000x128xf32>
    %dot_general3A_31 = tpu.matmul %get3A_4, %slice3A_29, %dot_general3A_30 {dimension_numbers = #tpu.dot_dimension_numbers<[1], [0], [0], [1], [0, 0, 1, 1], [], []>, transpose_lhs_hint = false} : vector<2000x128xf32>, vector<128x128xf32>, vector<2000x128xf32> -> vector<2000x128xf32>
    %add3A_32 = arith.addf %add3A_28, %dot_general3A_31 : vector<2000x128xf32>
    %logistic3A = arith.negf %add3A_21 : vector<2000x128xf32>
    %logistic3A_33 = math.exp %logistic3A : vector<2000x128xf32>
    %logistic3A_34 = arith.constant 1.000000e+00 : f32
    %logistic3A_35 = vector.broadcast %logistic3A_34 : f32 to vector<2000x128xf32>
    %logistic3A_36 = arith.addf %logistic3A_35, %logistic3A_33 : vector<2000x128xf32>
    %logistic3A_37 = arith.divf %logistic3A_35, %logistic3A_36 : vector<2000x128xf32>
    %mul3A = arith.mulf %add3A_21, %logistic3A_37 : vector<2000x128xf32>
    %mul3A_38 = arith.mulf %mul3A, %add3A_32 : vector<2000x128xf32>
    %get3A_39 = arith.constant 0 : index
    %get3A_40 = arith.constant 0 : index
    %get3A_41 = vector.load %arg6[%get3A_39, %get3A_40] : memref<128x128xf32, #tpu.memory_space<vmem>>, vector<128x128xf32>
    %dot_general3A_42 = arith.constant dense<0.000000e+00> : vector<2000x128xf32>
    %dot_general3A_43 = tpu.matmul %mul3A_38, %get3A_41, %dot_general3A_42 {dimension_numbers = #tpu.dot_dimension_numbers<[1], [0], [0], [1], [0, 0, 1, 1], [], []>, transpose_lhs_hint = false} : vector<2000x128xf32>, vector<128x128xf32>, vector<2000x128xf32> -> vector<2000x128xf32>
    %reduce_sum3A = arith.constant dense<0.000000e+00> : vector<2000xf32>
    %reduce_sum3A_44 = vector.multi_reduction <add>, %dot_general3A_43, %reduce_sum3A [1] : vector<2000x128xf32> to vector<2000xf32>
    %broadcast_in_dim3A = vector.shape_cast %reduce_sum3A_44 : vector<2000xf32> to vector<2000x1xf32>
    %div3A = arith.constant 1.280000e+02 : f32
    %div3A_45 = vector.broadcast %div3A : f32 to vector<2000x1xf32>
    %div3A_46 = arith.divf %broadcast_in_dim3A, %div3A_45 : vector<2000x1xf32>
    %sub3A = vector.broadcast %div3A_46 : vector<2000x1xf32> to vector<2000x128xf32>
    %sub3A_47 = arith.subf %dot_general3A_43, %sub3A : vector<2000x128xf32>
    %mul3A_48 = arith.mulf %sub3A_47, %sub3A_47 : vector<2000x128xf32>
    %reduce_sum3A_49 = arith.constant dense<0.000000e+00> : vector<2000xf32>
    %reduce_sum3A_50 = vector.multi_reduction <add>, %mul3A_48, %reduce_sum3A_49 [1] : vector<2000x128xf32> to vector<2000xf32>
    %broadcast_in_dim3A_51 = vector.shape_cast %reduce_sum3A_50 : vector<2000xf32> to vector<2000x1xf32>
    %div3A_52 = arith.constant 1.280000e+02 : f32
    %div3A_53 = vector.broadcast %div3A_52 : f32 to vector<2000x1xf32>
    %div3A_54 = arith.divf %broadcast_in_dim3A_51, %div3A_53 : vector<2000x1xf32>
    %add3A_55 = arith.constant 9.99999974E-6 : f32
    %add3A_56 = vector.broadcast %add3A_55 : f32 to vector<2000x1xf32>
    %add3A_57 = arith.addf %div3A_54, %add3A_56 : vector<2000x1xf32>
    %rsqrt3A = math.rsqrt %add3A_57 : vector<2000x1xf32>
    %mul3A_58 = vector.broadcast %rsqrt3A : vector<2000x1xf32> to vector<2000x128xf32>
    %mul3A_59 = arith.mulf %sub3A_47, %mul3A_58 : vector<2000x128xf32>
    %get3A_60 = arith.constant 0 : index
    %get3A_61 = arith.constant 0 : index
    %get3A_62 = vector.load %arg7[%get3A_60, %get3A_61] : memref<1x128xf32, #tpu.memory_space<vmem>>, vector<1x128xf32>
    %mul3A_63 = vector.broadcast %get3A_62 : vector<1x128xf32> to vector<2000x128xf32>
    %mul3A_64 = arith.mulf %mul3A_59, %mul3A_63 : vector<2000x128xf32>
    %get3A_65 = arith.constant 0 : index
    %get3A_66 = arith.constant 0 : index
    %get3A_67 = vector.load %arg8[%get3A_65, %get3A_66] : memref<1x128xf32, #tpu.memory_space<vmem>>, vector<1x128xf32>
    %add3A_68 = vector.broadcast %get3A_67 : vector<1x128xf32> to vector<2000x128xf32>
    %add3A_69 = arith.addf %mul3A_64, %add3A_68 : vector<2000x128xf32>
    %get3A_70 = arith.constant 0 : index
    %get3A_71 = arith.constant 0 : index
    %get3A_72 = vector.load %arg11[%get3A_70, %get3A_71] : memref<1x128xf32, #tpu.memory_space<vmem>>, vector<1x128xf32>
    %mul3A_73 = vector.broadcast %get3A_72 : vector<1x128xf32> to vector<2000x128xf32>
    %mul3A_74 = arith.mulf %mul3A_73, %get3A_1 : vector<2000x128xf32>
    %add3A_75 = arith.addf %add3A_69, %mul3A_74 : vector<2000x128xf32>
    %swap3A = arith.constant 0 : index
    %swap3A_76 = arith.constant 0 : index
    %swap3A_77 = vector.load %arg12[%swap3A, %swap3A_76] : memref<2000x128xf32, #tpu.memory_space<vmem>>, vector<2000x128xf32>
    tpu.vector_store %arg12[%swap3A, %swap3A_76], %add3A_75 {strides = array<i32>} : memref<2000x128xf32, #tpu.memory_space<vmem>>, vector<2000x128xf32>,
    %get3A_78 = arith.constant 0 : index
    %get3A_79 = arith.constant 0 : index
    %get3A_80 = vector.load %arg9[%get3A_78, %get3A_79] : memref<128x128xf32, #tpu.memory_space<vmem>>, vector<128x128xf32>
    %dot_general3A_81 = arith.constant dense<0.000000e+00> : vector<2000x128xf32>
    %dot_general3A_82 = tpu.matmul %get3A_1, %get3A_80, %dot_general3A_81 {dimension_numbers = #tpu.dot_dimension_numbers<[1], [0], [0], [1], [0, 0, 1, 1], [], []>, transpose_lhs_hint = false} : vector<2000x128xf32>, vector<128x128xf32>, vector<2000x128xf32> -> vector<2000x128xf32>
    %exp3A = math.exp %dot_general3A_82 : vector<2000x128xf32>
    %get3A_83 = arith.constant 0 : index
    %get3A_84 = arith.constant 0 : index
    %get3A_85 = vector.load %arg10[%get3A_83, %get3A_84] : memref<128x128xf32, #tpu.memory_space<vmem>>, vector<128x128xf32>
    %dot_general3A_86 = arith.constant dense<0.000000e+00> : vector<2000x128xf32>
    %dot_general3A_87 = tpu.matmul %get3A_1, %get3A_85, %dot_general3A_86 {dimension_numbers = #tpu.dot_dimension_numbers<[1], [0], [0], [1], [0, 0, 1, 1], [], []>, transpose_lhs_hint = false} : vector<2000x128xf32>, vector<128x128xf32>, vector<2000x128xf32> -> vector<2000x128xf32>
    %exp3A_88 = math.exp %dot_general3A_87 : vector<2000x128xf32>
    %swap3A_89 = arith.constant 0 : index
    %swap3A_90 = arith.constant 0 : index
    %swap3A_91 = vector.load %arg15[%swap3A_89, %swap3A_90] : memref<2000x128xf32, #tpu.memory_space<vmem>>, vector<2000x128xf32>
    tpu.vector_store %arg15[%swap3A_89, %swap3A_90], %exp3A {strides = array<i32>} : memref<2000x128xf32, #tpu.memory_space<vmem>>, vector<2000x128xf32>,
    %swap3A_92 = arith.constant 0 : index
    %swap3A_93 = arith.constant 0 : index
    %swap3A_94 = vector.load %arg16[%swap3A_92, %swap3A_93] : memref<2000x128xf32, #tpu.memory_space<vmem>>, vector<2000x128xf32>
    tpu.vector_store %arg16[%swap3A_92, %swap3A_93], %exp3A_88 {strides = array<i32>} : memref<2000x128xf32, #tpu.memory_space<vmem>>, vector<2000x128xf32>,
    %mul3A_95 = arith.mulf %exp3A, %add3A_69 : vector<2000x128xf32>
    %swap3A_96 = arith.constant 0 : index
    %swap3A_97 = arith.constant 0 : index
    %swap3A_98 = vector.load %arg13[%swap3A_96, %swap3A_97] : memref<2000x128xf32, #tpu.memory_space<vmem>>, vector<2000x128xf32>
    tpu.vector_store %arg13[%swap3A_96, %swap3A_97], %mul3A_95 {strides = array<i32>} : memref<2000x128xf32, #tpu.memory_space<vmem>>, vector<2000x128xf32>,
    %mul3A_99 = arith.mulf %exp3A_88, %add3A_69 : vector<2000x128xf32>
    %swap3A_100 = arith.constant 0 : index
    %swap3A_101 = arith.constant 0 : index
    %swap3A_102 = vector.load %arg14[%swap3A_100, %swap3A_101] : memref<2000x128xf32, #tpu.memory_space<vmem>>, vector<2000x128xf32>
    tpu.vector_store %arg14[%swap3A_100, %swap3A_101], %mul3A_99 {strides = array<i32>} : memref<2000x128xf32, #tpu.memory_space<vmem>>, vector<2000x128xf32>,
    return
  }
  func.func @transform_0(%arg0: i32) -> (i32, i32) {
    %c0_i32 = arith.constant 0 : i32
    %c0_i32_0 = arith.constant 0 : i32
    return %arg0, %c0_i32 : i32, i32
  }
  func.func @transform_1(%arg0: i32) -> (i32, i32) {
    %c0_i32 = arith.constant 0 : i32
    %c0_i32_0 = arith.constant 0 : i32
    return %arg0, %c0_i32 : i32, i32
  }
  func.func @transform_2(%arg0: i32) -> (i32, i32) {
    %c0_i32 = arith.constant 0 : i32
    %c0_i32_0 = arith.constant 0 : i32
    return %arg0, %c0_i32 : i32, i32
  }
  func.func @transform_3(%arg0: i32) -> (i32, i32) {
    %c0_i32 = arith.constant 0 : i32
    %c0_i32_0 = arith.constant 0 : i32
    %c0_i32_1 = arith.constant 0 : i32
    return %c0_i32, %c0_i32_0 : i32, i32
  }
  func.func @transform_4(%arg0: i32) -> (i32, i32) {
    %c0_i32 = arith.constant 0 : i32
    %c0_i32_0 = arith.constant 0 : i32
    %c0_i32_1 = arith.constant 0 : i32
    return %c0_i32, %c0_i32_0 : i32, i32
  }
  func.func @transform_5(%arg0: i32) -> (i32, i32) {
    %c0_i32 = arith.constant 0 : i32
    %c0_i32_0 = arith.constant 0 : i32
    %c0_i32_1 = arith.constant 0 : i32
    return %c0_i32, %c0_i32_0 : i32, i32
  }
  func.func @transform_6(%arg0: i32) -> (i32, i32) {
    %c0_i32 = arith.constant 0 : i32
    %c0_i32_0 = arith.constant 0 : i32
    %c0_i32_1 = arith.constant 0 : i32
    return %c0_i32, %c0_i32_0 : i32, i32
  }
  func.func @transform_7(%arg0: i32) -> (i32, i32) {
    %c0_i32 = arith.constant 0 : i32
    %c0_i32_0 = arith.constant 0 : i32
    %c0_i32_1 = arith.constant 0 : i32
    return %c0_i32, %c0_i32_0 : i32, i32
  }
  func.func @transform_8(%arg0: i32) -> (i32, i32) {
    %c0_i32 = arith.constant 0 : i32
    %c0_i32_0 = arith.constant 0 : i32
    %c0_i32_1 = arith.constant 0 : i32
    return %c0_i32, %c0_i32_0 : i32, i32
  }
  func.func @transform_9(%arg0: i32) -> (i32, i32) {
    %c0_i32 = arith.constant 0 : i32
    %c0_i32_0 = arith.constant 0 : i32
    %c0_i32_1 = arith.constant 0 : i32
    return %c0_i32, %c0_i32_0 : i32, i32
  }
  func.func @transform_10(%arg0: i32) -> (i32, i32) {
    %c0_i32 = arith.constant 0 : i32
    %c0_i32_0 = arith.constant 0 : i32
    %c0_i32_1 = arith.constant 0 : i32
    return %c0_i32, %c0_i32_0 : i32, i32
  }
  func.func @transform_11(%arg0: i32) -> (i32, i32) {
    %c0_i32 = arith.constant 0 : i32
    %c0_i32_0 = arith.constant 0 : i32
    return %arg0, %c0_i32 : i32, i32
  }
  func.func @transform_12(%arg0: i32) -> (i32, i32) {
    %c0_i32 = arith.constant 0 : i32
    %c0_i32_0 = arith.constant 0 : i32
    return %arg0, %c0_i32 : i32, i32
  }
  func.func @transform_13(%arg0: i32) -> (i32, i32) {
    %c0_i32 = arith.constant 0 : i32
    %c0_i32_0 = arith.constant 0 : i32
    return %arg0, %c0_i32 : i32, i32
  }
  func.func @transform_14(%arg0: i32) -> (i32, i32) {
    %c0_i32 = arith.constant 0 : i32
    %c0_i32_0 = arith.constant 0 : i32
    return %arg0, %c0_i32 : i32, i32
  }
  func.func @transform_15(%arg0: i32) -> (i32, i32) {
    %c0_i32 = arith.constant 0 : i32
    %c0_i32_0 = arith.constant 0 : i32
    return %arg0, %c0_i32 : i32, i32
  }
}

module attributes {stable_mosaic.version = 14 : i64} {
  func.func @_node_body(%arg0: i32, %arg1: memref<1000x128xf32, #tpu.memory_space<vmem>>, %arg2: memref<1000x128xf32, #tpu.memory_space<vmem>>, %arg3: memref<1000x128xf32, #tpu.memory_space<vmem>>, %arg4: memref<1000x128xf32, #tpu.memory_space<vmem>>, %arg5: memref<1000x128xf32, #tpu.memory_space<vmem>>, %arg6: memref<384x128xf32, #tpu.memory_space<vmem>>, %arg7: memref<384x128xf32, #tpu.memory_space<vmem>>, %arg8: memref<128x128xf32, #tpu.memory_space<vmem>>, %arg9: memref<1x128xf32, #tpu.memory_space<vmem>>, %arg10: memref<1x128xf32, #tpu.memory_space<vmem>>, %arg11: memref<1x128xf32, #tpu.memory_space<vmem>>, %arg12: memref<1000x128xf32, #tpu.memory_space<vmem>>) attributes {dimension_semantics = [#tpu.dimension_semantics<arbitrary>], iteration_bounds = array<i64: 10>, scalar_prefetch = 0 : i64, scratch_operands = 0 : i64, tpu.core_type = #tpu.core_type<tc>, window_params = [{transform_indices = @transform_0, window_bounds = array<i64: 1000, 128>}, {transform_indices = @transform_1, window_bounds = array<i64: 1000, 128>}, {transform_indices = @transform_2, window_bounds = array<i64: 1000, 128>}, {transform_indices = @transform_3, window_bounds = array<i64: 1000, 128>}, {transform_indices = @transform_4, window_bounds = array<i64: 1000, 128>}, {pipeline_mode = #tpu.pipeline_mode<synchronous>, transform_indices = @transform_5, window_bounds = array<i64: 384, 128>}, {pipeline_mode = #tpu.pipeline_mode<synchronous>, transform_indices = @transform_6, window_bounds = array<i64: 384, 128>}, {pipeline_mode = #tpu.pipeline_mode<synchronous>, transform_indices = @transform_7, window_bounds = array<i64: 128, 128>}, {pipeline_mode = #tpu.pipeline_mode<synchronous>, transform_indices = @transform_8, window_bounds = array<i64: 1, 128>}, {pipeline_mode = #tpu.pipeline_mode<synchronous>, transform_indices = @transform_9, window_bounds = array<i64: 1, 128>}, {pipeline_mode = #tpu.pipeline_mode<synchronous>, transform_indices = @transform_10, window_bounds = array<i64: 1, 128>}, {transform_indices = @transform_11, window_bounds = array<i64: 1000, 128>}]} {
    %get3A = arith.constant 0 : index
    %get3A_0 = arith.constant 0 : index
    %get3A_1 = vector.load %arg1[%get3A, %get3A_0] : memref<1000x128xf32, #tpu.memory_space<vmem>>, vector<1000x128xf32>
    %get3A_2 = arith.constant 0 : index
    %get3A_3 = arith.constant 0 : index
    %get3A_4 = vector.load %arg4[%get3A_2, %get3A_3] : memref<1000x128xf32, #tpu.memory_space<vmem>>, vector<1000x128xf32>
    %get3A_5 = arith.constant 0 : index
    %get3A_6 = arith.constant 0 : index
    %get3A_7 = vector.load %arg5[%get3A_5, %get3A_6] : memref<1000x128xf32, #tpu.memory_space<vmem>>, vector<1000x128xf32>
    %add3A = arith.constant 1.000000e-16 : f32
    %add3A_8 = vector.broadcast %add3A : f32 to vector<1000x128xf32>
    %add3A_9 = arith.addf %get3A_7, %add3A_8 : vector<1000x128xf32>
    %div3A = arith.divf %get3A_4, %add3A_9 : vector<1000x128xf32>
    %get3A_10 = arith.constant 0 : index
    %get3A_11 = arith.constant 0 : index
    %get3A_12 = vector.load %arg2[%get3A_10, %get3A_11] : memref<1000x128xf32, #tpu.memory_space<vmem>>, vector<1000x128xf32>
    %get3A_13 = arith.constant 0 : index
    %get3A_14 = arith.constant 0 : index
    %get3A_15 = vector.load %arg3[%get3A_13, %get3A_14] : memref<1000x128xf32, #tpu.memory_space<vmem>>, vector<1000x128xf32>
    %add3A_16 = arith.constant 1.000000e-16 : f32
    %add3A_17 = vector.broadcast %add3A_16 : f32 to vector<1000x128xf32>
    %add3A_18 = arith.addf %get3A_15, %add3A_17 : vector<1000x128xf32>
    %div3A_19 = arith.divf %get3A_12, %add3A_18 : vector<1000x128xf32>
    %get3A_20 = arith.constant 0 : index
    %get3A_21 = arith.constant 0 : index
    %get3A_22 = vector.load %arg6[%get3A_20, %get3A_21] : memref<384x128xf32, #tpu.memory_space<vmem>>, vector<384x128xf32>
    %get3A_23 = arith.constant 0 : index
    %get3A_24 = arith.constant 0 : index
    %get3A_25 = vector.load %arg7[%get3A_23, %get3A_24] : memref<384x128xf32, #tpu.memory_space<vmem>>, vector<384x128xf32>
    %slice3A = vector.extract_strided_slice %get3A_22 {offsets = [0, 0], sizes = [128, 128], strides = [1, 1]} : vector<384x128xf32> to vector<128x128xf32>
    %dot_general3A = arith.constant dense<0.000000e+00> : vector<1000x128xf32>
    %dot_general3A_26 = tpu.matmul %get3A_1, %slice3A, %dot_general3A {dimension_numbers = #tpu.dot_dimension_numbers<[1], [0], [0], [1], [0, 0, 1, 1], [], []>, transpose_lhs_hint = false} : vector<1000x128xf32>, vector<128x128xf32>, vector<1000x128xf32> -> vector<1000x128xf32>
    %slice3A_27 = vector.extract_strided_slice %get3A_22 {offsets = [128, 0], sizes = [128, 128], strides = [1, 1]} : vector<384x128xf32> to vector<128x128xf32>
    %dot_general3A_28 = arith.constant dense<0.000000e+00> : vector<1000x128xf32>
    %dot_general3A_29 = tpu.matmul %div3A, %slice3A_27, %dot_general3A_28 {dimension_numbers = #tpu.dot_dimension_numbers<[1], [0], [0], [1], [0, 0, 1, 1], [], []>, transpose_lhs_hint = false} : vector<1000x128xf32>, vector<128x128xf32>, vector<1000x128xf32> -> vector<1000x128xf32>
    %add3A_30 = arith.addf %dot_general3A_26, %dot_general3A_29 : vector<1000x128xf32>
    %slice3A_31 = vector.extract_strided_slice %get3A_22 {offsets = [256, 0], sizes = [128, 128], strides = [1, 1]} : vector<384x128xf32> to vector<128x128xf32>
    %dot_general3A_32 = arith.constant dense<0.000000e+00> : vector<1000x128xf32>
    %dot_general3A_33 = tpu.matmul %div3A_19, %slice3A_31, %dot_general3A_32 {dimension_numbers = #tpu.dot_dimension_numbers<[1], [0], [0], [1], [0, 0, 1, 1], [], []>, transpose_lhs_hint = false} : vector<1000x128xf32>, vector<128x128xf32>, vector<1000x128xf32> -> vector<1000x128xf32>
    %add3A_34 = arith.addf %add3A_30, %dot_general3A_33 : vector<1000x128xf32>
    %slice3A_35 = vector.extract_strided_slice %get3A_25 {offsets = [0, 0], sizes = [128, 128], strides = [1, 1]} : vector<384x128xf32> to vector<128x128xf32>
    %dot_general3A_36 = arith.constant dense<0.000000e+00> : vector<1000x128xf32>
    %dot_general3A_37 = tpu.matmul %get3A_1, %slice3A_35, %dot_general3A_36 {dimension_numbers = #tpu.dot_dimension_numbers<[1], [0], [0], [1], [0, 0, 1, 1], [], []>, transpose_lhs_hint = false} : vector<1000x128xf32>, vector<128x128xf32>, vector<1000x128xf32> -> vector<1000x128xf32>
    %slice3A_38 = vector.extract_strided_slice %get3A_25 {offsets = [128, 0], sizes = [128, 128], strides = [1, 1]} : vector<384x128xf32> to vector<128x128xf32>
    %dot_general3A_39 = arith.constant dense<0.000000e+00> : vector<1000x128xf32>
    %dot_general3A_40 = tpu.matmul %div3A, %slice3A_38, %dot_general3A_39 {dimension_numbers = #tpu.dot_dimension_numbers<[1], [0], [0], [1], [0, 0, 1, 1], [], []>, transpose_lhs_hint = false} : vector<1000x128xf32>, vector<128x128xf32>, vector<1000x128xf32> -> vector<1000x128xf32>
    %add3A_41 = arith.addf %dot_general3A_37, %dot_general3A_40 : vector<1000x128xf32>
    %slice3A_42 = vector.extract_strided_slice %get3A_25 {offsets = [256, 0], sizes = [128, 128], strides = [1, 1]} : vector<384x128xf32> to vector<128x128xf32>
    %dot_general3A_43 = arith.constant dense<0.000000e+00> : vector<1000x128xf32>
    %dot_general3A_44 = tpu.matmul %div3A_19, %slice3A_42, %dot_general3A_43 {dimension_numbers = #tpu.dot_dimension_numbers<[1], [0], [0], [1], [0, 0, 1, 1], [], []>, transpose_lhs_hint = false} : vector<1000x128xf32>, vector<128x128xf32>, vector<1000x128xf32> -> vector<1000x128xf32>
    %add3A_45 = arith.addf %add3A_41, %dot_general3A_44 : vector<1000x128xf32>
    %logistic3A = arith.negf %add3A_34 : vector<1000x128xf32>
    %logistic3A_46 = math.exp %logistic3A : vector<1000x128xf32>
    %logistic3A_47 = arith.constant 1.000000e+00 : f32
    %logistic3A_48 = vector.broadcast %logistic3A_47 : f32 to vector<1000x128xf32>
    %logistic3A_49 = arith.addf %logistic3A_48, %logistic3A_46 : vector<1000x128xf32>
    %logistic3A_50 = arith.divf %logistic3A_48, %logistic3A_49 : vector<1000x128xf32>
    %mul3A = arith.mulf %add3A_34, %logistic3A_50 : vector<1000x128xf32>
    %mul3A_51 = arith.mulf %mul3A, %add3A_45 : vector<1000x128xf32>
    %get3A_52 = arith.constant 0 : index
    %get3A_53 = arith.constant 0 : index
    %get3A_54 = vector.load %arg8[%get3A_52, %get3A_53] : memref<128x128xf32, #tpu.memory_space<vmem>>, vector<128x128xf32>
    %dot_general3A_55 = arith.constant dense<0.000000e+00> : vector<1000x128xf32>
    %dot_general3A_56 = tpu.matmul %mul3A_51, %get3A_54, %dot_general3A_55 {dimension_numbers = #tpu.dot_dimension_numbers<[1], [0], [0], [1], [0, 0, 1, 1], [], []>, transpose_lhs_hint = false} : vector<1000x128xf32>, vector<128x128xf32>, vector<1000x128xf32> -> vector<1000x128xf32>
    %reduce_sum3A = arith.constant dense<0.000000e+00> : vector<1000xf32>
    %reduce_sum3A_57 = vector.multi_reduction <add>, %dot_general3A_56, %reduce_sum3A [1] : vector<1000x128xf32> to vector<1000xf32>
    %broadcast_in_dim3A = vector.shape_cast %reduce_sum3A_57 : vector<1000xf32> to vector<1000x1xf32>
    %div3A_58 = arith.constant 1.280000e+02 : f32
    %div3A_59 = vector.broadcast %div3A_58 : f32 to vector<1000x1xf32>
    %div3A_60 = arith.divf %broadcast_in_dim3A, %div3A_59 : vector<1000x1xf32>
    %sub3A = vector.broadcast %div3A_60 : vector<1000x1xf32> to vector<1000x128xf32>
    %sub3A_61 = arith.subf %dot_general3A_56, %sub3A : vector<1000x128xf32>
    %mul3A_62 = arith.mulf %sub3A_61, %sub3A_61 : vector<1000x128xf32>
    %reduce_sum3A_63 = arith.constant dense<0.000000e+00> : vector<1000xf32>
    %reduce_sum3A_64 = vector.multi_reduction <add>, %mul3A_62, %reduce_sum3A_63 [1] : vector<1000x128xf32> to vector<1000xf32>
    %broadcast_in_dim3A_65 = vector.shape_cast %reduce_sum3A_64 : vector<1000xf32> to vector<1000x1xf32>
    %div3A_66 = arith.constant 1.280000e+02 : f32
    %div3A_67 = vector.broadcast %div3A_66 : f32 to vector<1000x1xf32>
    %div3A_68 = arith.divf %broadcast_in_dim3A_65, %div3A_67 : vector<1000x1xf32>
    %add3A_69 = arith.constant 9.99999974E-6 : f32
    %add3A_70 = vector.broadcast %add3A_69 : f32 to vector<1000x1xf32>
    %add3A_71 = arith.addf %div3A_68, %add3A_70 : vector<1000x1xf32>
    %rsqrt3A = math.rsqrt %add3A_71 : vector<1000x1xf32>
    %mul3A_72 = vector.broadcast %rsqrt3A : vector<1000x1xf32> to vector<1000x128xf32>
    %mul3A_73 = arith.mulf %sub3A_61, %mul3A_72 : vector<1000x128xf32>
    %get3A_74 = arith.constant 0 : index
    %get3A_75 = arith.constant 0 : index
    %get3A_76 = vector.load %arg9[%get3A_74, %get3A_75] : memref<1x128xf32, #tpu.memory_space<vmem>>, vector<1x128xf32>
    %mul3A_77 = vector.broadcast %get3A_76 : vector<1x128xf32> to vector<1000x128xf32>
    %mul3A_78 = arith.mulf %mul3A_73, %mul3A_77 : vector<1000x128xf32>
    %get3A_79 = arith.constant 0 : index
    %get3A_80 = arith.constant 0 : index
    %get3A_81 = vector.load %arg10[%get3A_79, %get3A_80] : memref<1x128xf32, #tpu.memory_space<vmem>>, vector<1x128xf32>
    %add3A_82 = vector.broadcast %get3A_81 : vector<1x128xf32> to vector<1000x128xf32>
    %add3A_83 = arith.addf %mul3A_78, %add3A_82 : vector<1000x128xf32>
    %get3A_84 = arith.constant 0 : index
    %get3A_85 = arith.constant 0 : index
    %get3A_86 = vector.load %arg11[%get3A_84, %get3A_85] : memref<1x128xf32, #tpu.memory_space<vmem>>, vector<1x128xf32>
    %mul3A_87 = vector.broadcast %get3A_86 : vector<1x128xf32> to vector<1000x128xf32>
    %mul3A_88 = arith.mulf %mul3A_87, %get3A_1 : vector<1000x128xf32>
    %add3A_89 = arith.addf %add3A_83, %mul3A_88 : vector<1000x128xf32>
    %swap3A = arith.constant 0 : index
    %swap3A_90 = arith.constant 0 : index
    %swap3A_91 = vector.load %arg12[%swap3A, %swap3A_90] : memref<1000x128xf32, #tpu.memory_space<vmem>>, vector<1000x128xf32>
    tpu.vector_store %arg12[%swap3A, %swap3A_90], %add3A_89 {strides = array<i32>} : memref<1000x128xf32, #tpu.memory_space<vmem>>, vector<1000x128xf32>,
    return
  }
  func.func @transform_0(%arg0: i32) -> (i32, i32) {
    %c0_i32 = arith.constant 0 : i32
    %c0_i32_0 = arith.constant 0 : i32
    return %arg0, %c0_i32 : i32, i32
  }
  func.func @transform_1(%arg0: i32) -> (i32, i32) {
    %c0_i32 = arith.constant 0 : i32
    %c0_i32_0 = arith.constant 0 : i32
    return %arg0, %c0_i32 : i32, i32
  }
  func.func @transform_2(%arg0: i32) -> (i32, i32) {
    %c0_i32 = arith.constant 0 : i32
    %c0_i32_0 = arith.constant 0 : i32
    return %arg0, %c0_i32 : i32, i32
  }
  func.func @transform_3(%arg0: i32) -> (i32, i32) {
    %c0_i32 = arith.constant 0 : i32
    %c0_i32_0 = arith.constant 0 : i32
    return %arg0, %c0_i32 : i32, i32
  }
  func.func @transform_4(%arg0: i32) -> (i32, i32) {
    %c0_i32 = arith.constant 0 : i32
    %c0_i32_0 = arith.constant 0 : i32
    return %arg0, %c0_i32 : i32, i32
  }
  func.func @transform_5(%arg0: i32) -> (i32, i32) {
    %c0_i32 = arith.constant 0 : i32
    %c0_i32_0 = arith.constant 0 : i32
    %c0_i32_1 = arith.constant 0 : i32
    return %c0_i32, %c0_i32_0 : i32, i32
  }
  func.func @transform_6(%arg0: i32) -> (i32, i32) {
    %c0_i32 = arith.constant 0 : i32
    %c0_i32_0 = arith.constant 0 : i32
    %c0_i32_1 = arith.constant 0 : i32
    return %c0_i32, %c0_i32_0 : i32, i32
  }
  func.func @transform_7(%arg0: i32) -> (i32, i32) {
    %c0_i32 = arith.constant 0 : i32
    %c0_i32_0 = arith.constant 0 : i32
    %c0_i32_1 = arith.constant 0 : i32
    return %c0_i32, %c0_i32_0 : i32, i32
  }
  func.func @transform_8(%arg0: i32) -> (i32, i32) {
    %c0_i32 = arith.constant 0 : i32
    %c0_i32_0 = arith.constant 0 : i32
    %c0_i32_1 = arith.constant 0 : i32
    return %c0_i32, %c0_i32_0 : i32, i32
  }
  func.func @transform_9(%arg0: i32) -> (i32, i32) {
    %c0_i32 = arith.constant 0 : i32
    %c0_i32_0 = arith.constant 0 : i32
    %c0_i32_1 = arith.constant 0 : i32
    return %c0_i32, %c0_i32_0 : i32, i32
  }
  func.func @transform_10(%arg0: i32) -> (i32, i32) {
    %c0_i32 = arith.constant 0 : i32
    %c0_i32_0 = arith.constant 0 : i32
    %c0_i32_1 = arith.constant 0 : i32
    return %c0_i32, %c0_i32_0 : i32, i32
  }
  func.func @transform_11(%arg0: i32) -> (i32, i32) {
    %c0_i32 = arith.constant 0 : i32
    %c0_i32_0 = arith.constant 0 : i32
    return %arg0, %c0_i32 : i32, i32
  }
}

</mosaic_0001>

<sc_bundles>
// kernel: kernel.6.cloned.1.call-start
scs
__scs_entry_jumppad:
0x0: {  	(pc) =	sbr.rel $0x88, $3  }
0x1: {  	(tag) =	ssettag $0x0;
	lr =	simm.s32 $0x1  }
0x2: {  	[smem:$0x3F8F] =	sst lr;
	_ =	strace $0xD0000000  }
0x3: {  	_ = 	snop  }
0x4: {  	_ = 	snop  }
0x5: {  	_ = 	snop  }
0x6: {  	_ = 	snop  }
0x7: {  	_ = 	snop  }
__scs_overlays_trampoline_lowered:
0x8: {  	[smem:$0x3F9E] =	sst s0  }
0x9: {  	[smem:$0x3F9F] =	sst s1  }
0xa: {  	[smem:$0x3FA0] =	sst s2  }
0xb: {  	[smem:$0x3FA1] =	sst s3  }
0xc: {  	[smem:$0x3FA2] =	sst s4  }
0xd: {  	[smem:$0x3FA3] =	sst s5  }
0xe: {  	[smem:$0x3FA4] =	sst s6  }
0xf: {  	[smem:$0x3FA5] =	sst s7  }
0x10: {  	[smem:$0x3FA6] =	sst s8  }
0x11: {  	[smem:$0x3FA7] =	sst s9;
	s0 =	simm.s32 @!p0 $0x0  }
0x12: {  	s1 =	sld [smem:$0x3F8D];
	s0 =	simm.s32 @p0 $0x1  }
0x13: {  	[smem:$0x3FA8] =	sst s0;
	s0 =	simm.s32 @!p1 $0x0  }
0x14: {  	s2 =	sld [smem:$0x3F8C];
	s0 =	simm.s32 @p1 $0x1  }
0x15: {  	[smem:$0x3FA9] =	sst s0;
	s0 =	simm.s32 @!p2 $0x0  }
0x16: {  	s3 =	sld [smem:$0x3FDB];
	s0 =	simm.s32 @p2 $0x1  }
0x17: {  	s4 =	simm.s32 $0x1BF5;
	[smem:$0x3FAB] =	sst s0  }
0x18: {  	s0 =	sld [smem:$0x3F8E];
	_ =	swait.ge [sflag:s4], $0x0  }
0x19: {  	s7 =	sld [smem:$0x3F8F]  }
0x1a: {  	s8 =	sadd.s32 $0xFFFFE003, lr  }
0x1b: {  	s9 =	sadd.s32 $0xFFFFFEF7, lr;
	s5 =	simm.s32 $0xFFFFFFFF;
	p2 =	slt.u32 s8, $0xFFFFF086  }
0x1c: {  	p1 =	slt.u32 s9, $0xF7A;
	s5 =	simm.s32 @!p2 $0x0  }
0x1d: {  	s5 =	simm.s32 @p1 $0x1;
	p0 =	seq.s32 s7, s2  }
0x1e: {  	s7 =	smul.u32 @!p0 $0xF7A, s2;
	p2 =	seq.s32 @!p0 s5, $0x0  }
0x1f: {  	s9 =	smul.u32 $0xF7A, s1;
	s8 =	simm.s32 @!p0 $0x1BF5;
	p2 =	por !p2, p0  }
0x20: {  	[sflag:s8] =	ssyncset.s32 @!p0 $0xFFFFF086;
	s6 =	sadd.s32 @!p0 s3, s7;
	s7 =	simm.s32 @!p0 $0x108  }
0x21: {  	s3 =	sadd.s32 s3, s9;
	s6 =	sadd.s32 @!p0 $0x88, s6;
	s7 =	simm.s32 @p2 $0x1082  }
0x22: {  	[simem:s7], [sflag:s8] =	dma.local @!p0 [hbm:s6], $0xF7A  }
0x23: {  	s9 =	sor.u32 $0xD0000000, s2;
	s6 =	simm.s32 $0x108;
	_ =	swait.ge @!p0 [sflag:s8], $0x0  }
0x24: {  	s3 =	sadd.s32 $0x88, s3;
	s6 =	simm.s32 @!p1 $0x1082;
	[sflag:s4] =	ssyncset.s32 $0xFFFFF086  }
0x25: {  	[simem:s6], [sflag:s4] =	dma.local [hbm:s3], $0xF7A  }
0x26: {  	[smem:$0x3F8F] =	sst s1;
	(tag) =	ssettag s2;
	_ =	strace s9  }
0x27: {  	s1 =	sld [smem:$0x3F9F]  }
0x28: {  	s2 =	sld [smem:$0x3FA0]  }
0x29: {  	s4 =	sld [smem:$0x3FA2]  }
0x2a: {  	p0 =	seq.s32 s5, $0x0;
	s5 =	sld [smem:$0x3FA3]  }
0x2b: {  	s6 =	sld [smem:$0x3FA4]  }
0x2c: {  	s7 =	sld [smem:$0x3FA5]  }
0x2d: {  	s3 =	simm.s32 $0x108;
	s8 =	sld [smem:$0x3FA6]  }
0x2e: {  	s3 =	simm.s32 @!p0 $0x1082;
	s9 =	sld [smem:$0x3FA7]  }
0x2f: {  	lr =	sadd.s32 s0, s3;
	s0 =	sld [smem:$0x3F9E]  }
0x30: {  	s3 =	sld [smem:$0x3FA1]  }
0x31: {  	[smem:$0x3FAA] =	sst s10  }
0x32: {  	s10 =	sld [smem:$0x3FA8];
	_ =	sdelay $0x3  }
0x33: {  	p0 =	seq.s32 s10, $0x1;
	s10 =	sld [smem:$0x3FAA];
	_ =	sdelay $0x3  }
0x34: {  	[smem:$0x3FAA] =	sst s10  }
0x35: {  	s10 =	sld [smem:$0x3FA9];
	_ =	sdelay $0x3  }
0x36: {  	p1 =	seq.s32 s10, $0x1;
	s10 =	sld [smem:$0x3FAA];
	_ =	sdelay $0x3  }
0x37: {  	[smem:$0x3FAA] =	sst s10  }
0x38: {  	s10 =	sld [smem:$0x3FAB]  }
0x39: {  	_ = 	snop;
	(pc) =	sbr.ind lr, $3  }
0x3a: {  	_ = 	snop  }
0x3b: {  	_ = 	snop  }
0x3c: {  	p2 =	seq.s32 s10, $0x1;
	s10 =	sld [smem:$0x3FAA]  }
0x3d: {  	_ =	shalt  }
0x3e: {  	_ =	shalt  }
0x3f: {  	_ =	shalt  }
0x40: {  	_ =	shalt  }
0x41: {  	_ =	shalt  }
0x42: {  	_ =	shalt  }
0x43: {  	_ =	shalt  }
0x44: {  	_ =	shalt  }
0x45: {  	_ =	shalt  }
0x46: {  	_ =	shalt  }
0x47: {  	_ =	shalt  }
0x48: {  	_ =	shalt  }
0x49: {  	_ =	shalt  }
0x4a: {  	_ =	shalt  }
0x4b: {  	_ =	shalt  }
0x4c: {  	_ =	shalt  }
0x4d: {  	_ =	shalt  }
0x4e: {  	_ =	shalt  }
0x4f: {  	_ =	shalt  }
0x50: {  	_ =	shalt  }
0x51: {  	_ =	shalt  }
0x52: {  	_ =	shalt  }
0x53: {  	_ =	shalt  }
0x54: {  	_ =	shalt  }
0x55: {  	_ =	shalt  }
0x56: {  	_ =	shalt  }
0x57: {  	_ =	shalt  }
0x58: {  	_ =	shalt  }
0x59: {  	_ =	shalt  }
0x5a: {  	_ =	shalt  }
0x5b: {  	_ =	shalt  }
0x5c: {  	_ =	shalt  }
0x5d: {  	_ =	shalt  }
0x5e: {  	_ =	shalt  }
0x5f: {  	_ =	shalt  }
0x60: {  	_ =	shalt  }
0x61: {  	_ =	shalt  }
0x62: {  	_ =	shalt  }
0x63: {  	_ =	shalt  }
0x64: {  	_ =	shalt  }
0x65: {  	_ =	shalt  }
0x66: {  	_ =	shalt  }
0x67: {  	_ =	shalt  }
0x68: {  	_ =	shalt  }
0x69: {  	_ =	shalt  }
0x6a: {  	_ =	shalt  }
0x6b: {  	_ =	shalt  }
0x6c: {  	_ =	shalt  }
0x6d: {  	_ =	shalt  }
0x6e: {  	_ =	shalt  }
0x6f: {  	_ =	shalt  }
0x70: {  	_ =	shalt  }
0x71: {  	_ =	shalt  }
0x72: {  	_ =	shalt  }
0x73: {  	_ =	shalt  }
0x74: {  	_ =	shalt  }
0x75: {  	_ =	shalt  }
0x76: {  	_ =	shalt  }
0x77: {  	_ =	shalt  }
0x78: {  	_ =	shalt  }
0x79: {  	_ =	shalt  }
0x7a: {  	_ =	shalt  }
0x7b: {  	_ =	shalt  }
0x7c: {  	_ =	shalt  }
0x7d: {  	_ =	shalt  }
0x7e: {  	_ =	shalt  }
0x7f: {  	_ =	shalt  }
0x80: {  	_ =	shalt  }
0x81: {  	_ =	shalt  }
0x82: {  	_ =	shalt  }
0x83: {  	_ =	shalt  }
0x84: {  	_ =	shalt  }
0x85: {  	_ =	shalt  }
0x86: {  	_ =	shalt  }
0x87: {  	_ =	shalt  }
.Lfunc_end0:
.L_simem_size_0:
called_computation_lowered:
.L_overlay_start_0:
0x88: {  	s2 =	sld [smem:$0x3FD9]  }
0x89: {  	s3 =	sld [smem:$0x3FFE];
	_ =	sdelay $0x1  }
0x8a: {  	s1 =	srdreg.scid  }
0x8b: {  	s0 =	sand.u32 $0x1, s1  }
0x8c: {  	s14 =	sshll.u32 s0, $0xA;
	s2 =	sadd.s32 s3, s2  }
0x8d: {  	s2 =	sadd.s32 s2, s14  }
0x8e: {  	[smem:$0x3FB6] =	sst s2  }
0x8f: {  	_ = 	snop  }
0x90: {  	s2 =	sld [smem:$0x3FD0];
	_ =	sdelay $0x2  }
0x91: {  	s4 =	simm.s32 $0xA;
	s5 =	simm.s32 $0x10;
	s15 =	sld [smem:$0x3FC9]  }
0x92: {  	[smem:s5], [sflag:s4] =	dma.local [hbm:s2], $0x1  }
0x93: {  	_ =	swait.eq [sflag:s4], $0x1  }
0x94: {  	[sflag:s4] =	ssyncset.done $0x0  }
0x95: {  	s16 =	sld [smem:$0x10];
	[sflag:s4] =	ssyncadd.s32 $0xFFFFFFFF  }
0x96: {  	s17 =	sld [smem:$0x11];
	(tm) =	ssettm $0x1  }
0x97: {  	s18 =	sld [smem:$0x3FFB];
	_ =	sdelay $0x3  }
0x98: {  	_ =	strace s18  }
0x99: {  	s5 =	sld [smem:$0x3FFC];
	_ =	sdelay $0x3  }
0x9a: {  	_ =	strace s5  }
0x9b: {  	s5 =	sld [smem:$0x3FFD];
	_ =	sdelay $0x3  }
0x9c: {  	_ =	strace s5  }
0x9d: {  	_ =	strace $0x8FFFFFFF  }
0x9e: {  	s19 =	sld [smem:$0x3FDB];
	_ =	sdelay $0x1  }
0x9f: {  	s6 =	simm.s32 $_scs_section_size  }
0xa0: {  	s7 =	simm.s32 $_size__tile_overlayer_lowered;
	s8 =	simm.s32 $_tile_overlayer_lowered  }
0xa1: {  	s22 =	simm.s32 $0x1BFF;
	s21 =	sshll.u32 s8, $0x1;
	s5 =	sadd.s32 s6, s19  }
0xa2: {  	s9 =	simm.s32 $0x0;
	s20 =	sshll.u32 s7, $0x1;
	s7 =	sadd.s32 s21, s5  }
0xa3: {  	[timem:s9], [sflag:s22] =	dma.local [hbm:s7], s20  }
0xa4: {  	_ =	swait.ge [sflag:s22], s20  }
0xa5: {  	s6 =	ssub.s32 $0x0, s20;
	[sflag:s22] =	ssyncset.done $0x0  }
0xa6: {  	[sflag:s22] =	ssyncadd.s32 s6;
	_ =	sdelay $0x1  }
0xa7: {  	s23 =	simm.s32 $0x1B8B  }
0xa8: {  	_ =	swait.ge [sflag:s23], $0x1  }
0xa9: {  	[sflag:s23] =	ssyncset.done $0x0  }
0xaa: {  	s25 =	simm.s32 $0x1B8E;
	s24 =	sld [smem:$0x3FFE];
	[sflag:s23] =	ssyncadd.s32 $0xFFFFFFFF  }
0xab: {  	s26 =	simm.s32 $execute0_lowered;
	[smem:$0x3FD2] =	sst s25  }
0xac: {  	s7 =	sshll.u32 s26, $0x1;
	_ =	strace $0x80000046;
	[dreg:$0x1] =	wrdreg $0xFFFFFFFF  }
0xad: {  	s28 =	simm.s32 $_size_execute0_lowered;
	s5 =	sadd.s32 s5, s7;
	[dreg:$0x0] =	wrdreg $0x0  }
0xae: {  	s7 =	sshll.u32 s28, $0x1;
	[dreg:$0x2] =	wrdreg s5  }
0xaf: {  	[dreg:$0x3] =	wrdreg s7  }
0xb0: {  	[dreg:$0x4] =	wrdreg $0xC0  }
0xb1: {  	_ =	task [dreg:s9], $0x5FFFF  }
0xb2: {  	[dreg:$0x1] =	wrdreg $0xFFFFFFFF  }
0xb3: {  	[dreg:$0x0] =	wrdreg $0x60  }
0xb4: {  	[dreg:$0x2] =	wrdreg s15  }
0xb5: {  	[dreg:$0x3] =	wrdreg s16  }
0xb6: {  	[dreg:$0x4] =	wrdreg s17  }
0xb7: {  	[dreg:$0x5] =	wrdreg s24  }
0xb8: {  	[dreg:$0x6] =	wrdreg $0x9  }
0xb9: {  	_ =	task.clear_ibuf [dreg:s9], $0x7FFFF;
	_ =	strace $0x90000046  }
0xba: {  	s29 =	simm.s32 $0x9;
	_ =	strace $0x80000048  }
0xbb: {  	_ =	swait.ge [sflag:s29], $0x1  }
0xbc: {  	[sflag:s29] =	ssyncadd.s32 $0xFFFFFFFF  }
0xbd: {  	_ =	strace $0x90000048  }
0xbe: {  	_ =	sfence  }
0xbf: {  	s30 =	sld [smem:$0x0];
	_ =	sdelay $0x2  }
0xc0: {  	s31 =	sshll.u32 s1, $0xD;
	s1 =	sshrl.u32 s1, $0x2  }
0xc1: {  	s3 =	sand.u32 $0x4000, s31;
	s1 =	sadd.s32 s1, s30  }
0xc2: {  	s0 =	sor.u32 s3, s0;
	s1 =	sshll.u32 s1, $0x11  }
0xc3: {  	s0 =	sor.u32 s1, s0  }
0xc4: {  	s0 =	sadd.s32 $0x8F2B, s0  }
0xc5: {  	[sflag:s0] =	ssyncadd.remote.s32 $0x1  }
0xc6: {  	_ =	sfence.sel $0xFFFF  }
0xc7: {  	[dreg:$0x0] =	wrdreg $0xFFFFFFFF;
	(pc) =	sbr.abs _section_cstart, $3  }
0xc8: {  	[dreg:$0x1] =	wrdreg $0xFFFFFFFF  }
0xc9: {  	_ =	task.clear_ibuf [dreg:s9], $0x2FFFF;
	_ =	strace $0x9FFFFFFF  }
0xca: {  	(tm) =	ssettm $0x7FFFFFFF  }
0xcb: {  	_ =	shalt  }
tec
execute0_lowered:
.L_overlay_start_1:
0x0: {  	(tag) =	ssettag $0x1  }
0x1: {  	s1 =	rddreg [dreg:$0x0]  }
0x2: {  	s4 =	rddreg [dreg:$0x1]  }
0x3: {  	s0 =	stileid.u32;
	s5 =	rddreg [dreg:$0x2]  }
0x4: {  	s2 =	srdreg.scid;
	s7 =	rddreg [dreg:$0x3];
	s3 =	simm.s32 $0x0  }
0x5: {  	s11 =	simm.s32 $0x1400;
	s12 =	simm.s32 $0x1;
	s13 =	simm.s32 $0x0  }
0x6: {  	s6 =	sand.u32 $0x1, s2;
	s29 =	sshll.u32 s0, $0x1;
	s2 =	rddreg [dreg:$0x4]  }
0x7: {  	s8 =	smul.u32 $0x27100, s0;
	[smem:$0x7FF] =	sst s3;
	s9 =	sor.u32 s6, s29  }
0x8: {  	s10 =	ssub.s32 $0x2, s6;
	s6 =	smul.u32 $0x13880, s6;
	_ =	strace $0x80000047  }
0x9: {  	s9 =	smul.u32 $0x280, s9;
	s7 =	sadd.s32 s8, s7;
	s30 =	sshrl.u32 s10, $0x1  }
0xa: {  	s8 =	ssub.s32 s10, s30;
	s31 =	sadd.s32 s6, s7;
	s10 =	simm.s32 $0x7D  }
0xb: {  	s4 =	sadd.s32 s4, s9;
	s5 =	sadd.s32 s5, s9;
	s6 =	smax.u32 s8, $0x1  }
0xc: {  	s7 =	sadd.s32 $0x3600, s31;
	s8 =	sadd.s32 $0x274600, s31;
	s9 =	simm.s32 $0x2  }
.LBB2_1:
0xd: {  	[tilespmem:s3], [sflag:$0x2] =	stream.linear.gather [hbm4b:s4+s3], $0x1400, $0x38;
	[tilespmem:$0x5280] =	vst v63  }
0xe: {  	_ =	swait.ge [sflag:s9], $0x1400  }
0xf: {  	[sflag:s9] =	ssyncset.done $0x0  }
0x10: {  	s14 =	simm.s32 $0x0;
	[sflag:s9] =	ssyncadd.s32 $0xFFFFEC00  }
0x11: {  	[tilespmem:s11], [sflag:$0x1] =	stream.indirect.gather [hbm4b:s1+s10], $0x80, s14, s10, $0xb8;
	[tilespmem:$0x5280] =	vst v63  }
0x12: {  	_ =	swait.ge [sflag:s12], $0x3E80  }
0x13: {  	[sflag:s12] =	ssyncset.done $0x0  }
0x14: {  	[sflag:s12] =	ssyncadd.s32 $0xFFFFC180  }
0x15: {  	[hbm4b:s7+s3] =	stream.linear.scatter [tilespmem:s11], [sflag:$0x2], $0x3E80, $0x38;
	[tilespmem:$0x5280] =	vst v63  }
0x16: {  	s15 =	simm.s32 $0x200;
	_ =	swait.ge [sflag:s9], $0x3E80  }
0x17: {  	s16 =	simm.s32 $0x400;
	s14 =	sadd.s32 $0x7D0, s7;
	[sflag:s9] =	ssyncset.done $0x0  }
.LBB2_2:
0x18: {  	s17 =	sshra.s32 s15, $0x2  }
0x19: {  	[sflag:s9] =	ssyncadd.s32 $0xFFFFC180;
	s15 =	smov.u32 s16;
	s18 =	sadd.s32 $0x200, s16  }
0x1a: {  	[tilespmem:s11], [sflag:$0x1] =	stream.indirect.gather [hbm4b:s1+s10], $0x80, s17, s10, $0xb8;
	[tilespmem:$0x5280] =	vst v63  }
0x1b: {  	p0 =	sne.s32 s16, $0x4E00;
	_ =	swait.ge [sflag:s12], $0x3E80  }
.Ltmp0:
0x1c: {  	[sflag:s12] =	ssyncset.done $0x0;
	(pc) =	sbr.rel @p0 .LBB2_2-.Ltmp0, $4  }
0x1d: {  	[sflag:s12] =	ssyncadd.s32 $0xFFFFC180  }
0x1e: {  	[hbm4b:s14+s3] =	stream.linear.scatter [tilespmem:s11], [sflag:$0x2], $0x3E80, $0x38;
	[tilespmem:$0x5280] =	vst v63  }
0x1f: {  	_ =	swait.ge [sflag:s9], $0x3E80  }
0x20: {  	s16 =	smov.u32 s18;
	s14 =	sadd.s32 $0x7D0, s14;
	[sflag:s9] =	ssyncset.done $0x0  }
0x21: {  	s15 =	sshra.s32 s15, $0x2;
	[sflag:s9] =	ssyncadd.s32 $0xFFFFC180  }
0x22: {  	[tilespmem:s11], [sflag:$0x1] =	stream.indirect.gather [hbm4b:s1+s10], $0x80, s15, s10, $0xb8;
	[tilespmem:$0x5280] =	vst v63  }
0x23: {  	_ =	swait.ge [sflag:s12], $0x3E80  }
0x24: {  	[sflag:s12] =	ssyncset.done $0x0  }
0x25: {  	[sflag:s12] =	ssyncadd.s32 $0xFFFFC180  }
0x26: {  	[hbm4b:s14+s3] =	stream.linear.scatter [tilespmem:s11], [sflag:$0x2], $0x3E80, $0x38;
	[tilespmem:$0x5280] =	vst v63  }
0x27: {  	_ =	swait.ge [sflag:s9], $0x3E80  }
0x28: {  	[sflag:s9] =	ssyncset.done $0x0  }
0x29: {  	s30 =	simm.s32 $0x0;
	[sflag:s9] =	ssyncadd.s32 $0xFFFFC180  }
0x2a: {  	[tilespmem:s30], [sflag:$0x2] =	stream.linear.gather [hbm4b:s5+s30], $0x1400, $0x38;
	[tilespmem:$0x5280] =	vst v63  }
0x2b: {  	_ =	swait.ge [sflag:s9], $0x1400  }
0x2c: {  	[sflag:s9] =	ssyncset.done $0x0  }
0x2d: {  	s31 =	simm.s32 $0x0;
	[sflag:s9] =	ssyncadd.s32 $0xFFFFEC00  }
0x2e: {  	[tilespmem:s11], [sflag:$0x1] =	stream.indirect.gather [hbm4b:s1+s10], $0x80, s31, s10, $0xb8;
	[tilespmem:$0x5280] =	vst v63  }
0x2f: {  	_ =	swait.ge [sflag:s12], $0x3E80  }
0x30: {  	[sflag:s12] =	ssyncset.done $0x0  }
0x31: {  	[sflag:s12] =	ssyncadd.s32 $0xFFFFC180  }
0x32: {  	[hbm4b:s8+s3] =	stream.linear.scatter [tilespmem:s11], [sflag:$0x2], $0x3E80, $0x38;
	[tilespmem:$0x5280] =	vst v63  }
0x33: {  	s16 =	simm.s32 $0x400;
	_ =	swait.ge [sflag:s9], $0x3E80  }
0x34: {  	s15 =	simm.s32 $0x200;
	s14 =	sadd.s32 $0x7D0, s8;
	[sflag:s9] =	ssyncset.done $0x0  }
.LBB2_4:
0x35: {  	s17 =	sshra.s32 s15, $0x2  }
0x36: {  	[sflag:s9] =	ssyncadd.s32 $0xFFFFC180;
	s15 =	smov.u32 s16;
	s18 =	sadd.s32 $0x200, s16  }
0x37: {  	[tilespmem:s11], [sflag:$0x1] =	stream.indirect.gather [hbm4b:s1+s10], $0x80, s17, s10, $0xb8;
	[tilespmem:$0x5280] =	vst v63  }
0x38: {  	p0 =	sne.s32 s16, $0x4E00;
	_ =	swait.ge [sflag:s12], $0x3E80  }
.Ltmp1:
0x39: {  	[sflag:s12] =	ssyncset.done $0x0;
	(pc) =	sbr.rel @p0 .LBB2_4-.Ltmp1, $4  }
0x3a: {  	[sflag:s12] =	ssyncadd.s32 $0xFFFFC180  }
0x3b: {  	[hbm4b:s14+s3] =	stream.linear.scatter [tilespmem:s11], [sflag:$0x2], $0x3E80, $0x38;
	[tilespmem:$0x5280] =	vst v63  }
0x3c: {  	_ =	swait.ge [sflag:s9], $0x3E80  }
0x3d: {  	s16 =	smov.u32 s18;
	s14 =	sadd.s32 $0x7D0, s14;
	[sflag:s9] =	ssyncset.done $0x0  }
0x3e: {  	s15 =	sshra.s32 s15, $0x2;
	[sflag:s9] =	ssyncadd.s32 $0xFFFFC180  }
0x3f: {  	[tilespmem:s11], [sflag:$0x1] =	stream.indirect.gather [hbm4b:s1+s10], $0x80, s15, s10, $0xb8;
	[tilespmem:$0x5280] =	vst v63  }
0x40: {  	s13 =	sadd.s32 $0x1, s13;
	_ =	swait.ge [sflag:s12], $0x3E80  }
0x41: {  	p0 =	sne.s32 s13, s6;
	[sflag:s12] =	ssyncset.done $0x0  }
.Ltmp2:
0x42: {  	[sflag:s12] =	ssyncadd.s32 $0xFFFFC180;
	(pc) =	sbr.rel @p0 .LBB2_1-.Ltmp2, $4  }
0x43: {  	[hbm4b:s14+s3] =	stream.linear.scatter [tilespmem:s11], [sflag:$0x2], $0x3E80, $0x38;
	[tilespmem:$0x5280] =	vst v63  }
0x44: {  	_ =	swait.ge [sflag:s9], $0x3E80  }
0x45: {  	[sflag:s9] =	ssyncset.done $0x0  }
0x46: {  	[sflag:s9] =	ssyncadd.s32 $0xFFFFC180  }
0x47: {  	_ =	sfence.sel $0x180000  }
0x48: {  	[bflag:$0x0] =	sbarrier.arrive $0xFFFF  }
0x49: {  	p0 =	sne.s32 s0, $0x0;
	_ =	strace $0x90000047  }
0x4a: {  	s0 =	sadd.s32 @!p0 $0x100000, s2;
	[bflag:$0x2] =	sbarrier.arrive $0xFFFF  }
0x4b: {  	[sflag:s0] =	ssyncadd.tile.s32 @!p0 $0x1;
	_ =	shalt  }
.Lfunc_end2:
_tile_overlayer_lowered:
.L_overlay_start_2:
0x4c: {  	(tag) =	ssettag $0x2  }
0x4d: {  	s0 =	rddreg [dreg:$0x0];
	s2 =	stileid.u32  }
0x4e: {  	s1 =	rddreg [dreg:$0x1];
	p0 =	sne.s32 s2, $0x0  }
0x4f: {  	s3 =	rddreg [dreg:$0x2];
	[bflag:$0x3] =	sbarrier.arrive $0xFFFF;
	s2 =	simm.s32 @!p0 $0x1C02  }
0x50: {  	[timem:s3], [sflag:s2] =	dma.local @!p0 [hbm:s0], s1  }
0x51: {  	s0 =	simm.s32 @!p0 $0x2  }
0x52: {  	_ =	swait.ge @!p0 [sflag:s0], s1  }
0x53: {  	s1 =	ssub.s32 @!p0 $0x0, s1;
	[sflag:s0] =	ssyncset.done @!p0 $0x0  }
0x54: {  	[sflag:s0] =	ssyncadd.s32 @!p0 s1  }
0x55: {  	[bflag:$0x3] =	sbarrier.arrive $0xFFFF  }
0x56: {  	_ =	shalt  }

// kernel: kernel.9.cloned.1.call-start
scs
__scs_entry_jumppad:
0x0: {  	(pc) =	sbr.rel $0x88, $3  }
0x1: {  	(tag) =	ssettag $0x0;
	lr =	simm.s32 $0x1  }
0x2: {  	[smem:$0x3F8F] =	sst lr;
	_ =	strace $0xD0000000  }
0x3: {  	_ = 	snop  }
0x4: {  	_ = 	snop  }
0x5: {  	_ = 	snop  }
0x6: {  	_ = 	snop  }
0x7: {  	_ = 	snop  }
__scs_overlays_trampoline_lowered:
0x8: {  	[smem:$0x3F9E] =	sst s0  }
0x9: {  	[smem:$0x3F9F] =	sst s1  }
0xa: {  	[smem:$0x3FA0] =	sst s2  }
0xb: {  	[smem:$0x3FA1] =	sst s3  }
0xc: {  	[smem:$0x3FA2] =	sst s4  }
0xd: {  	[smem:$0x3FA3] =	sst s5  }
0xe: {  	[smem:$0x3FA4] =	sst s6  }
0xf: {  	[smem:$0x3FA5] =	sst s7  }
0x10: {  	[smem:$0x3FA6] =	sst s8  }
0x11: {  	[smem:$0x3FA7] =	sst s9;
	s0 =	simm.s32 @!p0 $0x0  }
0x12: {  	s1 =	sld [smem:$0x3F8D];
	s0 =	simm.s32 @p0 $0x1  }
0x13: {  	[smem:$0x3FA8] =	sst s0;
	s0 =	simm.s32 @!p1 $0x0  }
0x14: {  	s2 =	sld [smem:$0x3F8C];
	s0 =	simm.s32 @p1 $0x1  }
0x15: {  	[smem:$0x3FA9] =	sst s0;
	s0 =	simm.s32 @!p2 $0x0  }
0x16: {  	s3 =	sld [smem:$0x3FDB];
	s0 =	simm.s32 @p2 $0x1  }
0x17: {  	s4 =	simm.s32 $0x1BF5;
	[smem:$0x3FAB] =	sst s0  }
0x18: {  	s0 =	sld [smem:$0x3F8E];
	_ =	swait.ge [sflag:s4], $0x0  }
0x19: {  	s7 =	sld [smem:$0x3F8F]  }
0x1a: {  	s8 =	sadd.s32 $0xFFFFE003, lr  }
0x1b: {  	s9 =	sadd.s32 $0xFFFFFEF7, lr;
	s5 =	simm.s32 $0xFFFFFFFF;
	p2 =	slt.u32 s8, $0xFFFFF086  }
0x1c: {  	p1 =	slt.u32 s9, $0xF7A;
	s5 =	simm.s32 @!p2 $0x0  }
0x1d: {  	s5 =	simm.s32 @p1 $0x1;
	p0 =	seq.s32 s7, s2  }
0x1e: {  	s7 =	smul.u32 @!p0 $0xF7A, s2;
	p2 =	seq.s32 @!p0 s5, $0x0  }
0x1f: {  	s9 =	smul.u32 $0xF7A, s1;
	s8 =	simm.s32 @!p0 $0x1BF5;
	p2 =	por !p2, p0  }
0x20: {  	[sflag:s8] =	ssyncset.s32 @!p0 $0xFFFFF086;
	s6 =	sadd.s32 @!p0 s3, s7;
	s7 =	simm.s32 @!p0 $0x108  }
0x21: {  	s3 =	sadd.s32 s3, s9;
	s6 =	sadd.s32 @!p0 $0x88, s6;
	s7 =	simm.s32 @p2 $0x1082  }
0x22: {  	[simem:s7], [sflag:s8] =	dma.local @!p0 [hbm:s6], $0xF7A  }
0x23: {  	s9 =	sor.u32 $0xD0000000, s2;
	s6 =	simm.s32 $0x108;
	_ =	swait.ge @!p0 [sflag:s8], $0x0  }
0x24: {  	s3 =	sadd.s32 $0x88, s3;
	s6 =	simm.s32 @!p1 $0x1082;
	[sflag:s4] =	ssyncset.s32 $0xFFFFF086  }
0x25: {  	[simem:s6], [sflag:s4] =	dma.local [hbm:s3], $0xF7A  }
0x26: {  	[smem:$0x3F8F] =	sst s1;
	(tag) =	ssettag s2;
	_ =	strace s9  }
0x27: {  	s1 =	sld [smem:$0x3F9F]  }
0x28: {  	s2 =	sld [smem:$0x3FA0]  }
0x29: {  	s4 =	sld [smem:$0x3FA2]  }
0x2a: {  	p0 =	seq.s32 s5, $0x0;
	s5 =	sld [smem:$0x3FA3]  }
0x2b: {  	s6 =	sld [smem:$0x3FA4]  }
0x2c: {  	s7 =	sld [smem:$0x3FA5]  }
0x2d: {  	s3 =	simm.s32 $0x108;
	s8 =	sld [smem:$0x3FA6]  }
0x2e: {  	s3 =	simm.s32 @!p0 $0x1082;
	s9 =	sld [smem:$0x3FA7]  }
0x2f: {  	lr =	sadd.s32 s0, s3;
	s0 =	sld [smem:$0x3F9E]  }
0x30: {  	s3 =	sld [smem:$0x3FA1]  }
0x31: {  	[smem:$0x3FAA] =	sst s10  }
0x32: {  	s10 =	sld [smem:$0x3FA8];
	_ =	sdelay $0x3  }
0x33: {  	p0 =	seq.s32 s10, $0x1;
	s10 =	sld [smem:$0x3FAA];
	_ =	sdelay $0x3  }
0x34: {  	[smem:$0x3FAA] =	sst s10  }
0x35: {  	s10 =	sld [smem:$0x3FA9];
	_ =	sdelay $0x3  }
0x36: {  	p1 =	seq.s32 s10, $0x1;
	s10 =	sld [smem:$0x3FAA];
	_ =	sdelay $0x3  }
0x37: {  	[smem:$0x3FAA] =	sst s10  }
0x38: {  	s10 =	sld [smem:$0x3FAB]  }
0x39: {  	_ = 	snop;
	(pc) =	sbr.ind lr, $3  }
0x3a: {  	_ = 	snop  }
0x3b: {  	_ = 	snop  }
0x3c: {  	p2 =	seq.s32 s10, $0x1;
	s10 =	sld [smem:$0x3FAA]  }
0x3d: {  	_ =	shalt  }
0x3e: {  	_ =	shalt  }
0x3f: {  	_ =	shalt  }
0x40: {  	_ =	shalt  }
0x41: {  	_ =	shalt  }
0x42: {  	_ =	shalt  }
0x43: {  	_ =	shalt  }
0x44: {  	_ =	shalt  }
0x45: {  	_ =	shalt  }
0x46: {  	_ =	shalt  }
0x47: {  	_ =	shalt  }
0x48: {  	_ =	shalt  }
0x49: {  	_ =	shalt  }
0x4a: {  	_ =	shalt  }
0x4b: {  	_ =	shalt  }
0x4c: {  	_ =	shalt  }
0x4d: {  	_ =	shalt  }
0x4e: {  	_ =	shalt  }
0x4f: {  	_ =	shalt  }
0x50: {  	_ =	shalt  }
0x51: {  	_ =	shalt  }
0x52: {  	_ =	shalt  }
0x53: {  	_ =	shalt  }
0x54: {  	_ =	shalt  }
0x55: {  	_ =	shalt  }
0x56: {  	_ =	shalt  }
0x57: {  	_ =	shalt  }
0x58: {  	_ =	shalt  }
0x59: {  	_ =	shalt  }
0x5a: {  	_ =	shalt  }
0x5b: {  	_ =	shalt  }
0x5c: {  	_ =	shalt  }
0x5d: {  	_ =	shalt  }
0x5e: {  	_ =	shalt  }
0x5f: {  	_ =	shalt  }
0x60: {  	_ =	shalt  }
0x61: {  	_ =	shalt  }
0x62: {  	_ =	shalt  }
0x63: {  	_ =	shalt  }
0x64: {  	_ =	shalt  }
0x65: {  	_ =	shalt  }
0x66: {  	_ =	shalt  }
0x67: {  	_ =	shalt  }
0x68: {  	_ =	shalt  }
0x69: {  	_ =	shalt  }
0x6a: {  	_ =	shalt  }
0x6b: {  	_ =	shalt  }
0x6c: {  	_ =	shalt  }
0x6d: {  	_ =	shalt  }
0x6e: {  	_ =	shalt  }
0x6f: {  	_ =	shalt  }
0x70: {  	_ =	shalt  }
0x71: {  	_ =	shalt  }
0x72: {  	_ =	shalt  }
0x73: {  	_ =	shalt  }
0x74: {  	_ =	shalt  }
0x75: {  	_ =	shalt  }
0x76: {  	_ =	shalt  }
0x77: {  	_ =	shalt  }
0x78: {  	_ =	shalt  }
0x79: {  	_ =	shalt  }
0x7a: {  	_ =	shalt  }
0x7b: {  	_ =	shalt  }
0x7c: {  	_ =	shalt  }
0x7d: {  	_ =	shalt  }
0x7e: {  	_ =	shalt  }
0x7f: {  	_ =	shalt  }
0x80: {  	_ =	shalt  }
0x81: {  	_ =	shalt  }
0x82: {  	_ =	shalt  }
0x83: {  	_ =	shalt  }
0x84: {  	_ =	shalt  }
0x85: {  	_ =	shalt  }
0x86: {  	_ =	shalt  }
0x87: {  	_ =	shalt  }
.Lfunc_end0:
.L_simem_size_0:
called_computation.1_lowered:
.L_overlay_start_0:
0x88: {  	s2 =	sld [smem:$0x3FD9]  }
0x89: {  	s3 =	sld [smem:$0x3FFE];
	_ =	sdelay $0x1  }
0x8a: {  	s1 =	srdreg.scid  }
0x8b: {  	s0 =	sand.u32 $0x1, s1  }
0x8c: {  	s14 =	sshll.u32 s0, $0xA;
	s2 =	sadd.s32 s3, s2  }
0x8d: {  	s2 =	sadd.s32 s2, s14  }
0x8e: {  	[smem:$0x3FB6] =	sst s2  }
0x8f: {  	_ = 	snop  }
0x90: {  	s2 =	sld [smem:$0x3FD0];
	_ =	sdelay $0x2  }
0x91: {  	s15 =	simm.s32 $0xA;
	s4 =	simm.s32 $0x10  }
0x92: {  	[smem:s4], [sflag:s15] =	dma.local [hbm:s2], $0x1  }
0x93: {  	_ =	swait.eq [sflag:s15], $0x1  }
0x94: {  	[sflag:s15] =	ssyncset.done $0x0  }
0x95: {  	[sflag:s15] =	ssyncadd.s32 $0xFFFFFFFF  }
0x96: {  	s16 =	sld [smem:$0x10];
	(tm) =	ssettm $0x1  }
0x97: {  	s17 =	sld [smem:$0x3FFB];
	_ =	sdelay $0x3  }
0x98: {  	_ =	strace s17  }
0x99: {  	s3 =	sld [smem:$0x3FFC];
	_ =	sdelay $0x3  }
0x9a: {  	_ =	strace s3  }
0x9b: {  	s3 =	sld [smem:$0x3FFD];
	_ =	sdelay $0x3  }
0x9c: {  	_ =	strace s3  }
0x9d: {  	_ =	strace $0x8FFFFFFF  }
0x9e: {  	s18 =	sld [smem:$0x3FDB];
	_ =	sdelay $0x1  }
0x9f: {  	s19 =	simm.s32 $_scs_section_size  }
0xa0: {  	s5 =	simm.s32 $_size__tile_overlayer_lowered;
	s6 =	simm.s32 $_tile_overlayer_lowered  }
0xa1: {  	s22 =	simm.s32 $0x1BFF;
	s21 =	sshll.u32 s6, $0x1;
	s3 =	sadd.s32 s19, s18  }
0xa2: {  	s7 =	simm.s32 $0x0;
	s20 =	sshll.u32 s5, $0x1;
	s5 =	sadd.s32 s21, s3  }
0xa3: {  	[timem:s7], [sflag:s22] =	dma.local [hbm:s5], s20  }
0xa4: {  	_ =	swait.ge [sflag:s22], s20  }
0xa5: {  	s4 =	ssub.s32 $0x0, s20;
	[sflag:s22] =	ssyncset.done $0x0  }
0xa6: {  	[sflag:s22] =	ssyncadd.s32 s4;
	_ =	sdelay $0x1  }
0xa7: {  	s23 =	simm.s32 $0x1B8B  }
0xa8: {  	_ =	swait.ge [sflag:s23], $0x1  }
0xa9: {  	[sflag:s23] =	ssyncset.done $0x0  }
0xaa: {  	s25 =	simm.s32 $0x1B8E;
	s24 =	sld [smem:$0x3FFE];
	[sflag:s23] =	ssyncadd.s32 $0xFFFFFFFF  }
0xab: {  	s26 =	simm.s32 $execute0_lowered;
	[smem:$0x3FD2] =	sst s25  }
0xac: {  	s5 =	sshll.u32 s26, $0x1;
	_ =	strace $0x80000049;
	[dreg:$0x1] =	wrdreg $0xFFFFFFFF  }
0xad: {  	s28 =	simm.s32 $_size_execute0_lowered;
	s3 =	sadd.s32 s3, s5;
	[dreg:$0x0] =	wrdreg $0x0  }
0xae: {  	s5 =	sshll.u32 s28, $0x1;
	[dreg:$0x2] =	wrdreg s3  }
0xaf: {  	[dreg:$0x3] =	wrdreg s5  }
0xb0: {  	[dreg:$0x4] =	wrdreg $0xC0  }
0xb1: {  	_ =	task [dreg:s7], $0x5FFFF  }
0xb2: {  	[dreg:$0x1] =	wrdreg $0xFFFFFFFF  }
0xb3: {  	[dreg:$0x0] =	wrdreg $0x60  }
0xb4: {  	[dreg:$0x2] =	wrdreg s24  }
0xb5: {  	[dreg:$0x3] =	wrdreg s16  }
0xb6: {  	[dreg:$0x4] =	wrdreg $0x0  }
0xb7: {  	[dreg:$0x5] =	wrdreg $0x9  }
0xb8: {  	_ =	task.clear_ibuf [dreg:s7], $0x6FFFF;
	_ =	strace $0x90000049  }
0xb9: {  	s29 =	simm.s32 $0x9;
	_ =	strace $0x8000004B  }
0xba: {  	_ =	swait.ge [sflag:s29], $0x1  }
0xbb: {  	[sflag:s29] =	ssyncadd.s32 $0xFFFFFFFF  }
0xbc: {  	_ =	strace $0x9000004B  }
0xbd: {  	_ =	sfence  }
0xbe: {  	s30 =	sld [smem:$0x0];
	_ =	sdelay $0x2  }
0xbf: {  	s31 =	sshll.u32 s1, $0xD;
	s1 =	sshrl.u32 s1, $0x2  }
0xc0: {  	s3 =	sand.u32 $0x4000, s31;
	s1 =	sadd.s32 s1, s30  }
0xc1: {  	s0 =	sor.u32 s3, s0;
	s1 =	sshll.u32 s1, $0x11  }
0xc2: {  	s0 =	sor.u32 s1, s0  }
0xc3: {  	s0 =	sadd.s32 $0x8F2B, s0  }
0xc4: {  	[sflag:s0] =	ssyncadd.remote.s32 $0x1  }
0xc5: {  	_ =	sfence.sel $0xFFFF  }
0xc6: {  	[dreg:$0x0] =	wrdreg $0xFFFFFFFF;
	(pc) =	sbr.abs _section_cstart, $3  }
0xc7: {  	[dreg:$0x1] =	wrdreg $0xFFFFFFFF  }
0xc8: {  	_ =	task.clear_ibuf [dreg:s7], $0x2FFFF;
	_ =	strace $0x9FFFFFFF  }
0xc9: {  	(tm) =	ssettm $0x7FFFFFFF  }
tec
execute0_lowered:
.L_overlay_start_1:
0x0: {  	(tag) =	ssettag $0x1  }
0x1: {  	s6 =	rddreg [dreg:$0x0]  }
0x2: {  	s12 =	rddreg [dreg:$0x1]  }
0x3: {  	s2 =	rddreg [dreg:$0x2];
	s1 =	stileid.u32  }
0x4: {  	s0 =	rddreg [dreg:$0x3];
	s3 =	simm.s32 $0x0;
	s8 =	srdreg.scid  }
0x5: {  	s19 =	simm.s32 $0x1;
	s20 =	simm.s32 $0x13880;
	s4 =	smul.u32 $0x27100, s1  }
0x6: {  	s21 =	simm.s32 $0x16080;
	s22 =	simm.s32 $0x7D;
	s5 =	smul.u32 $0x500, s1  }
0x7: {  	s23 =	simm.s32 $0x0;
	[smem:$0x7FF] =	sst s3;
	s7 =	smul.u32 $0x13880, s1  }
0x8: {  	s8 =	sand.u32 $0x1, s8;
	s31 =	sshll.u32 s1, $0x6;
	_ =	strace $0x8000004A  }
0x9: {  	s10 =	ssub.s32 $0x2, s8;
	p0 =	seq.s32 s8, $0x1;
	s17 =	sadd.s32 s4, s6  }
0xa: {  	s9 =	sadd.s32 s5, s6;
	s4 =	sadd.s32 $0x2A800, s6;
	s5 =	sshrl.u32 s7, $0x3  }
0xb: {  	s13 =	sshrl.u32 s10, $0x1;
	s18 =	sadd.s32 s7, s2;
	s11 =	sadd.s32 s5, s6  }
.Ltmp0:
0xc: {  	s6 =	sadd.s32 $0x78C00, s6;
	s7 =	sadd.s32 $0x4EA600, s9;
	(pc) =	sbr.rel .LBB2_1-.Ltmp0, $4  }
0xd: {  	s15 =	ssub.s32 s10, s13;
	s9 =	sadd.s32 $0x4E5600, s9;
	s13 =	sadd.s32 $0x4EF600, s17  }
0xe: {  	s12 =	sadd.s32 s12, s5;
	s14 =	sadd.s32 $0x9D1600, s17;
	s16 =	sadd.s32 $0x760600, s17  }
0xf: {  	s17 =	sadd.s32 $0xC42600, s17;
	s18 =	sshrl.u32 s18, $0x3;
	s8 =	sadd.s32 $0x3600, s11  }
0x10: {  	s10 =	sadd.s32 $0x51A00, s11;
	s11 =	sor.u32 $0x1C01, s31;
	s15 =	smax.u32 s15, $0x1  }
.LBB2_11:
0x11: {  	[sflag:s19] =	ssyncadd.s32 $0xFFFFC180;
	s24 =	smov.u32 s6  }
.LBB2_12:
0x12: {  	s24 =	sadd.s32 s24, s5;
	[bflag:$0x0] =	sbarrier.arrive $0xFFFF;
	s23 =	sadd.s32 $0x1, s23  }
0x13: {  	[hbm:s24], [sflag:s11] =	dma.local [spmem:s18], $0x2710  }
0x14: {  	p1 =	sne.s32 s23, s15  }
.Ltmp1:
0x15: {  	_ =	swait.ge [sflag:s19], $0x2710;
	(pc) =	sbr.rel @!p1 .LBB2_13-.Ltmp1, $3  }
0x16: {  	[sflag:s19] =	ssyncset.done $0x0  }
0x17: {  	[sflag:s19] =	ssyncadd.s32 $0xFFFFD8F0  }
0x18: {  	[bflag:$0x0] =	sbarrier.arrive $0xFFFF;
	_ =	sdelay $0x1  }
.LBB2_1:
.Ltmp2:
0x19: {  	(pc) =	sbr.rel @!p0 .LBB2_2-.Ltmp2, $4  }
0x1a: {  	[spmem:s18], [sflag:s11] =	dma.local [hbm:s12], $0x2710  }
0x1b: {  	_ =	swait.ge [sflag:s19], $0x2710  }
0x1c: {  	[sflag:s19] =	ssyncset.done $0x0  }
0x1d: {  	s24 =	simm.s32 $0x0;
	[sflag:s19] =	ssyncadd.s32 $0xFFFFD8F0  }
0x1e: {  	[tilespmem:s20], [sflag:$0x1] =	stream.linear.gather [hbm4b:s9+s24], $0x2800, $0x38;
	[tilespmem:$0x19F00] =	vst v63  }
0x1f: {  	_ =	swait.ge [sflag:s19], $0x2800  }
0x20: {  	[sflag:s19] =	ssyncset.done $0x0  }
0x21: {  	[sflag:s19] =	ssyncadd.s32 $0xFFFFD800  }
0x22: {  	[bflag:$0x0] =	sbarrier.arrive $0xFFFF  }
0x23: {  	[tilespmem:s21], [sflag:$0x1] =	stream.linear.gather [hbm4b:s16+s3], $0x3E80, $0x38;
	[tilespmem:$0x19F00] =	vst v63  }
0x24: {  	_ =	swait.ge [sflag:s19], $0x3E80  }
0x25: {  	[sflag:s19] =	ssyncset.done $0x0  }
0x26: {  	s31 =	simm.s32 $0x13880;
	[sflag:s19] =	ssyncadd.s32 $0xFFFFC180  }
0x27: {  	[spmem:s2] =	stream.indirect.scatter.add.f32 [tilespmem:s21], [sflag:$0x1], $0x80, s31, s22, $0xb8;
	[tilespmem:$0x19F00] =	vst v63  }
0x28: {  	_ =	swait.ge [sflag:s19], $0x3E80  }
0x29: {  	s24 =	simm.s32 $0x200;
	s25 =	smov.u32 s16;
	[sflag:s19] =	ssyncset.done $0x0  }
.LBB2_8:
0x2a: {  	p1 =	sne.s32 s24, $0x9E00;
	[sflag:s19] =	ssyncadd.s32 $0xFFFFC180;
	s25 =	sadd.s32 $0x7D0, s25  }
0x2b: {  	[tilespmem:s21], [sflag:$0x1] =	stream.linear.gather [hbm4b:s25+s3], $0x3E80, $0x38;
	[tilespmem:$0x19F00] =	vst v63  }
0x2c: {  	s26 =	smov.u32 s24;
	s24 =	sadd.s32 $0x200, s24;
	_ =	swait.ge [sflag:s19], $0x3E80  }
.Ltmp3:
0x2d: {  	s26 =	sshra.s32 s26, $0x2;
	[sflag:s19] =	ssyncset.done $0x0;
	(pc) =	sbr.rel @p1 .LBB2_8-.Ltmp3, $4  }
0x2e: {  	s26 =	sadd.s32 $0x13880, s26;
	[sflag:s19] =	ssyncadd.s32 $0xFFFFC180  }
0x2f: {  	[spmem:s2] =	stream.indirect.scatter.add.f32 [tilespmem:s21], [sflag:$0x1], $0x80, s26, s22, $0xb8;
	[tilespmem:$0x19F00] =	vst v63  }
0x30: {  	_ =	swait.ge [sflag:s19], $0x3E80  }
0x31: {  	[sflag:s19] =	ssyncset.done $0x0  }
0x32: {  	[sflag:s19] =	ssyncadd.s32 $0xFFFFC180  }
0x33: {  	[bflag:$0x0] =	sbarrier.arrive $0xFFFF  }
0x34: {  	[hbm:s10], [sflag:s11] =	dma.local [spmem:s18], $0x2710  }
0x35: {  	_ =	swait.ge [sflag:s19], $0x2710  }
0x36: {  	[sflag:s19] =	ssyncset.done $0x0  }
0x37: {  	[sflag:s19] =	ssyncadd.s32 $0xFFFFD8F0  }
0x38: {  	[bflag:$0x0] =	sbarrier.arrive $0xFFFF  }
0x39: {  	[spmem:s18], [sflag:s11] =	dma.local [hbm:s12], $0x2710  }
0x3a: {  	_ =	swait.ge [sflag:s19], $0x2710  }
0x3b: {  	[sflag:s19] =	ssyncset.done $0x0  }
0x3c: {  	s24 =	simm.s32 $0x0;
	[sflag:s19] =	ssyncadd.s32 $0xFFFFD8F0  }
0x3d: {  	[tilespmem:s20], [sflag:$0x1] =	stream.linear.gather [hbm4b:s9+s24], $0x2800, $0x38;
	[tilespmem:$0x19F00] =	vst v63  }
0x3e: {  	_ =	swait.ge [sflag:s19], $0x2800  }
0x3f: {  	[sflag:s19] =	ssyncset.done $0x0  }
0x40: {  	[sflag:s19] =	ssyncadd.s32 $0xFFFFD800  }
0x41: {  	[bflag:$0x0] =	sbarrier.arrive $0xFFFF  }
0x42: {  	[tilespmem:s21], [sflag:$0x1] =	stream.linear.gather [hbm4b:s17+s3], $0x3E80, $0x38;
	[tilespmem:$0x19F00] =	vst v63  }
0x43: {  	_ =	swait.ge [sflag:s19], $0x3E80  }
0x44: {  	[sflag:s19] =	ssyncset.done $0x0  }
0x45: {  	s31 =	simm.s32 $0x13880;
	[sflag:s19] =	ssyncadd.s32 $0xFFFFC180  }
0x46: {  	[spmem:s2] =	stream.indirect.scatter.add.f32 [tilespmem:s21], [sflag:$0x1], $0x80, s31, s22, $0xb8;
	[tilespmem:$0x19F00] =	vst v63  }
0x47: {  	_ =	swait.ge [sflag:s19], $0x3E80  }
0x48: {  	s25 =	smov.u32 s17;
	s24 =	simm.s32 $0x200;
	[sflag:s19] =	ssyncset.done $0x0  }
.LBB2_10:
0x49: {  	p1 =	sne.s32 s24, $0x9E00;
	[sflag:s19] =	ssyncadd.s32 $0xFFFFC180;
	s25 =	sadd.s32 $0x7D0, s25  }
0x4a: {  	[tilespmem:s21], [sflag:$0x1] =	stream.linear.gather [hbm4b:s25+s3], $0x3E80, $0x38;
	[tilespmem:$0x19F00] =	vst v63  }
0x4b: {  	s26 =	smov.u32 s24;
	s24 =	sadd.s32 $0x200, s24;
	_ =	swait.ge [sflag:s19], $0x3E80  }
.Ltmp4:
0x4c: {  	s26 =	sshra.s32 s26, $0x2;
	[sflag:s19] =	ssyncset.done $0x0;
	(pc) =	sbr.rel @p1 .LBB2_10-.Ltmp4, $4  }
0x4d: {  	s26 =	sadd.s32 $0x13880, s26;
	[sflag:s19] =	ssyncadd.s32 $0xFFFFC180  }
0x4e: {  	[spmem:s2] =	stream.indirect.scatter.add.f32 [tilespmem:s21], [sflag:$0x1], $0x80, s26, s22, $0xb8;
	[tilespmem:$0x19F00] =	vst v63  }
0x4f: {  	_ =	swait.ge [sflag:s19], $0x3E80  }
0x50: {  	[sflag:s19] =	ssyncset.done $0x0  }
.Ltmp5:
0x51: {  	_ = 	snop;
	(pc) =	sbr.rel .LBB2_11-.Ltmp5, $1  }
0x52: {  	_ =	sdelay $0x3  }
.LBB2_2:
0x53: {  	[tilespmem:s20], [sflag:$0x1] =	stream.linear.gather [hbm4b:s7+s24], $0x2800, $0x38;
	[tilespmem:$0x19F00] =	vst v63  }
0x54: {  	_ =	swait.ge [sflag:s19], $0x2800  }
0x55: {  	[sflag:s19] =	ssyncset.done $0x0  }
0x56: {  	[sflag:s19] =	ssyncadd.s32 $0xFFFFD800  }
0x57: {  	[bflag:$0x0] =	sbarrier.arrive $0xFFFF  }
0x58: {  	[tilespmem:s21], [sflag:$0x1] =	stream.linear.gather [hbm4b:s13+s3], $0x3E80, $0x38;
	[tilespmem:$0x19F00] =	vst v63  }
0x59: {  	_ =	swait.ge [sflag:s19], $0x3E80  }
0x5a: {  	[sflag:s19] =	ssyncset.done $0x0  }
0x5b: {  	s31 =	simm.s32 $0x13880;
	[sflag:s19] =	ssyncadd.s32 $0xFFFFC180  }
0x5c: {  	[spmem:s2] =	stream.indirect.scatter.add.f32 [tilespmem:s21], [sflag:$0x1], $0x80, s31, s22, $0xb8;
	[tilespmem:$0x19F00] =	vst v63  }
0x5d: {  	_ =	swait.ge [sflag:s19], $0x3E80  }
0x5e: {  	s24 =	simm.s32 $0x200;
	s25 =	smov.u32 s13;
	[sflag:s19] =	ssyncset.done $0x0  }
.LBB2_3:
0x5f: {  	p1 =	sne.s32 s24, $0x9E00;
	[sflag:s19] =	ssyncadd.s32 $0xFFFFC180;
	s25 =	sadd.s32 $0x7D0, s25  }
0x60: {  	[tilespmem:s21], [sflag:$0x1] =	stream.linear.gather [hbm4b:s25+s3], $0x3E80, $0x38;
	[tilespmem:$0x19F00] =	vst v63  }
0x61: {  	s26 =	smov.u32 s24;
	s24 =	sadd.s32 $0x200, s24;
	_ =	swait.ge [sflag:s19], $0x3E80  }
.Ltmp6:
0x62: {  	s26 =	sshra.s32 s26, $0x2;
	[sflag:s19] =	ssyncset.done $0x0;
	(pc) =	sbr.rel @p1 .LBB2_3-.Ltmp6, $4  }
0x63: {  	s26 =	sadd.s32 $0x13880, s26;
	[sflag:s19] =	ssyncadd.s32 $0xFFFFC180  }
0x64: {  	[spmem:s2] =	stream.indirect.scatter.add.f32 [tilespmem:s21], [sflag:$0x1], $0x80, s26, s22, $0xb8;
	[tilespmem:$0x19F00] =	vst v63  }
0x65: {  	_ =	swait.ge [sflag:s19], $0x3E80  }
0x66: {  	[sflag:s19] =	ssyncset.done $0x0  }
0x67: {  	[sflag:s19] =	ssyncadd.s32 $0xFFFFC180  }
0x68: {  	[bflag:$0x0] =	sbarrier.arrive $0xFFFF  }
0x69: {  	[hbm:s8], [sflag:s11] =	dma.local [spmem:s18], $0x2710  }
0x6a: {  	_ =	swait.ge [sflag:s19], $0x2710  }
0x6b: {  	[sflag:s19] =	ssyncset.done $0x0  }
0x6c: {  	[sflag:s19] =	ssyncadd.s32 $0xFFFFD8F0  }
0x6d: {  	[bflag:$0x0] =	sbarrier.arrive $0xFFFF  }
0x6e: {  	[spmem:s18], [sflag:s11] =	dma.local [hbm:s12], $0x2710  }
0x6f: {  	_ =	swait.ge [sflag:s19], $0x2710  }
0x70: {  	[sflag:s19] =	ssyncset.done $0x0  }
0x71: {  	s24 =	simm.s32 $0x0;
	[sflag:s19] =	ssyncadd.s32 $0xFFFFD8F0  }
0x72: {  	[tilespmem:s20], [sflag:$0x1] =	stream.linear.gather [hbm4b:s7+s24], $0x2800, $0x38;
	[tilespmem:$0x19F00] =	vst v63  }
0x73: {  	_ =	swait.ge [sflag:s19], $0x2800  }
0x74: {  	[sflag:s19] =	ssyncset.done $0x0  }
0x75: {  	[sflag:s19] =	ssyncadd.s32 $0xFFFFD800  }
0x76: {  	[bflag:$0x0] =	sbarrier.arrive $0xFFFF  }
0x77: {  	[tilespmem:s21], [sflag:$0x1] =	stream.linear.gather [hbm4b:s14+s3], $0x3E80, $0x38;
	[tilespmem:$0x19F00] =	vst v63  }
0x78: {  	_ =	swait.ge [sflag:s19], $0x3E80  }
0x79: {  	[sflag:s19] =	ssyncset.done $0x0  }
0x7a: {  	s31 =	simm.s32 $0x13880;
	[sflag:s19] =	ssyncadd.s32 $0xFFFFC180  }
0x7b: {  	[spmem:s2] =	stream.indirect.scatter.add.f32 [tilespmem:s21], [sflag:$0x1], $0x80, s31, s22, $0xb8;
	[tilespmem:$0x19F00] =	vst v63  }
0x7c: {  	_ =	swait.ge [sflag:s19], $0x3E80  }
0x7d: {  	s25 =	smov.u32 s14;
	s24 =	simm.s32 $0x200;
	[sflag:s19] =	ssyncset.done $0x0  }
.LBB2_5:
0x7e: {  	p1 =	seq.s32 s24, $0x9E00;
	[sflag:s19] =	ssyncadd.s32 $0xFFFFC180;
	s25 =	sadd.s32 $0x7D0, s25  }
0x7f: {  	[tilespmem:s21], [sflag:$0x1] =	stream.linear.gather [hbm4b:s25+s3], $0x3E80, $0x38;
	[tilespmem:$0x19F00] =	vst v63  }
0x80: {  	s26 =	smov.u32 s24;
	s24 =	sadd.s32 $0x200, s24;
	_ =	swait.ge [sflag:s19], $0x3E80  }
.Ltmp7:
0x81: {  	s26 =	sshra.s32 s26, $0x2;
	[sflag:s19] =	ssyncset.done $0x0;
	(pc) =	sbr.rel @!p1 .LBB2_5-.Ltmp7, $4  }
0x82: {  	s26 =	sadd.s32 $0x13880, s26;
	[sflag:s19] =	ssyncadd.s32 $0xFFFFC180  }
0x83: {  	[spmem:s2] =	stream.indirect.scatter.add.f32 [tilespmem:s21], [sflag:$0x1], $0x80, s26, s22, $0xb8;
	[tilespmem:$0x19F00] =	vst v63  }
0x84: {  	_ =	swait.ge [sflag:s19], $0x3E80  }
0x85: {  	[sflag:s19] =	ssyncset.done $0x0  }
.Ltmp8:
0x86: {  	(pc) =	sbr.rel .LBB2_12-.Ltmp8, $2  }
0x87: {  	_ =	sdelay $0x2  }
0x88: {  	[sflag:s19] =	ssyncadd.s32 $0xFFFFC180;
	s24 =	smov.u32 s4  }
.LBB2_13:
0x89: {  	_ =	sfence.sel $0x180000  }
0x8a: {  	[bflag:$0x0] =	sbarrier.arrive $0xFFFF  }
0x8b: {  	p0 =	sne.s32 s1, $0x0;
	_ =	strace $0x9000004A  }
0x8c: {  	s0 =	sadd.s32 @!p0 $0x100000, s0;
	[bflag:$0x2] =	sbarrier.arrive $0xFFFF  }
0x8d: {  	[sflag:s0] =	ssyncadd.tile.s32 @!p0 $0x1;
	_ =	shalt  }
.Lfunc_end2:
_tile_overlayer_lowered:
.L_overlay_start_2:
0x8e: {  	(tag) =	ssettag $0x2  }
0x8f: {  	s0 =	rddreg [dreg:$0x0];
	s2 =	stileid.u32  }
0x90: {  	s1 =	rddreg [dreg:$0x1];
	p0 =	sne.s32 s2, $0x0  }
0x91: {  	s3 =	rddreg [dreg:$0x2];
	[bflag:$0x3] =	sbarrier.arrive $0xFFFF;
	s2 =	simm.s32 @!p0 $0x1C01  }
0x92: {  	[timem:s3], [sflag:s2] =	dma.local @!p0 [hbm:s0], s1  }
0x93: {  	s0 =	simm.s32 @!p0 $0x1  }
0x94: {  	_ =	swait.ge @!p0 [sflag:s0], s1  }
0x95: {  	s1 =	ssub.s32 @!p0 $0x0, s1;
	[sflag:s0] =	ssyncset.done @!p0 $0x0  }
0x96: {  	[sflag:s0] =	ssyncadd.s32 @!p0 s1  }
0x97: {  	[bflag:$0x3] =	sbarrier.arrive $0xFFFF  }
0x98: {  	_ =	shalt  }

</sc_bundles>
